<compile_context>
chip_gen: v7x
topology: tpu7x:2x2x1
jax: 0.10.2.dev20260603
libtpu: 0.0.44.dev20260713+nightly
codegen_flags: <defaults>
</compile_context>

<pallas_src>
import functools

import jax
import jax.numpy as jnp
from jax import lax
from jax.experimental import pallas as pl
from jax.experimental.pallas import tpu as pltpu
from jax.experimental.pallas import tpu_sc as plsc

D = 32
BATCH = 16384
BETA = 1.0
NC, NS, L = 2, 16, 16
NW = NC * NS
PAIRS_W = BATCH // NW
ROWS_W = 2 * PAIRS_W
IDX_CHUNK = 128
N_CHUNKS = ROWS_W // IDX_CHUNK
BLOCKS = PAIRS_W // L

_mesh = plsc.VectorSubcoreMesh(core_axis_name="c", subcore_axis_name="s")


@functools.partial(
    pl.kernel,
    out_type=jax.ShapeDtypeStruct((BATCH,), jnp.float32),
    mesh=_mesh,
    compiler_params=pltpu.CompilerParams(
        needs_layout_passes=False, use_tc_tiling_on_sc=False
    ),
    scratch_types=[
        pltpu.VMEM((N_CHUNKS, IDX_CHUNK), jnp.int32),
        pltpu.VMEM((ROWS_W, D), jnp.float32),
        pltpu.VMEM((PAIRS_W,), jnp.float32),
        pltpu.SemaphoreType.DMA,
    ],
)
def _lorentzian_sc(idx_hbm, table_hbm, out_hbm, idx_v, rows_v, out_v, sem):
    wid = lax.axis_index("s") * NC + lax.axis_index("c")

    pltpu.sync_copy(idx_hbm.at[pl.ds(wid * N_CHUNKS, N_CHUNKS)], idx_v)

    copies = []
    for j in range(N_CHUNKS):
        copies.append(
            pltpu.async_copy(
                table_hbm.at[idx_v.at[j]],
                rows_v.at[pl.ds(j * IDX_CHUNK, IDX_CHUNK)],
                sem,
            )
        )
    for c in copies:
        c.wait()

    def block(b, carry):
        p = b * L + lax.iota(jnp.int32, L)
        r_u = 2 * p
        r_v = r_u + 1
        acc_uv = jnp.zeros((L,), jnp.float32)
        acc_uu = jnp.zeros((L,), jnp.float32)
        acc_vv = jnp.zeros((L,), jnp.float32)
        for d in range(D):
            col = jnp.full((L,), d, jnp.int32)
            u = plsc.load_gather(rows_v, [r_u, col])
            v = plsc.load_gather(rows_v, [r_v, col])
            acc_uv = acc_uv + u * v
            acc_uu = acc_uu + u * u
            acc_vv = acc_vv + v * v
        prod = (BETA + acc_uu) * (BETA + acc_vv)
        i = plsc.bitcast(prod, jnp.int32)
        i = (i >> 1) + 0x1FBD1DF6
        y = plsc.bitcast(i, jnp.float32)
        y = 0.5 * (y + prod / y)
        y = 0.5 * (y + prod / y)
        y = 0.5 * (y + prod / y)
        out_v[pl.ds(b * L, L)] = 2.0 * y - 2.0 * acc_uv + (1e-5 - 2.0 * BETA)
        return carry

    lax.fori_loop(0, BLOCKS, block, 0)
    pltpu.sync_copy(out_v, out_hbm.at[pl.ds(wid * PAIRS_W, PAIRS_W)])


def kernel(idxs, table):
    idx2d = idxs.reshape(NW * N_CHUNKS, IDX_CHUNK)
    return _lorentzian_sc(idx2d, table)

# --- scband reference (transcript-rebuilt; emitter-appended) ---
"""Pipeline reference for scband-lorentzian-13700945674303 (READ-ONLY COPY).

The authoritative reference and input builder live on the scoring server;
editing this copy changes nothing except your own understanding.
"""

import jax, jax.numpy as jnp
import numpy as np

NUM_ENTITY = 1000000
DIM = 32
ALPHA = 5.0
BETA = 1.0
BATCH = 16384


def setup_inputs(seed: int = 0) -> dict:
    key = jax.random.key(seed)
    k1, k2 = jax.random.split(key)
    idxs = jax.random.randint(k1, (BATCH, 2), 0, NUM_ENTITY, dtype=jnp.int32)
    table = jax.random.normal(k2, (NUM_ENTITY, DIM), dtype=jnp.float32) * 0.02
    return {"idxs": idxs, "table": table}


def reference(idxs, table):
    # embedding lookup: (B, 2, D)
    emb = jnp.take(table, idxs, axis=0)
    # hyperboloid lift: a_0 = sqrt(||u||^2 + beta), concat in front -> (B, 2, D+1)
    a0 = jnp.sqrt(jnp.sum(emb * emb, axis=-1, keepdims=True) + BETA)
    hyp = jnp.concatenate([a0, emb], axis=-1)
    a = hyp[..., 0, :]
    b = hyp[..., 1, :]
    # Lorentzian inner product: -a_0 b_0 + sum_i a_i b_i
    prod = a * b
    inner = -prod[..., 0] + jnp.sum(prod[..., 1:], axis=-1)
    # squared Lorentzian distance
    dist = -2.0 * BETA - 2.0 * inner
    # module default is training mode -> dist + 1e-5
    return dist + 1e-05

if __name__ == "__main__":
    import jax
    _d = setup_inputs()
    print(jax.jit(kernel)(*tuple(_d.values())))

</pallas_src>

<mosaic_0001>
#map = affine_map<(d0, d1) -> (0, 0)>
#map1 = affine_map<(d0, d1) -> (0)>
module attributes {stable_mosaic.version = 14 : i64} {
  func.func @_lorentzian_sc(%arg0: i32, %arg1: i32, %arg2: memref<256x128xi32, #tpu.memory_space<hbm>>, %arg3: memref<1000000x32xf32, #tpu.memory_space<hbm>>, %arg4: memref<16384xf32, #tpu.memory_space<hbm>>, %arg5: memref<8x128xi32, #tpu.memory_space<vmem>>, %arg6: memref<1024x32xf32, #tpu.memory_space<vmem>>, %arg7: memref<512xf32, #tpu.memory_space<vmem>>, %arg8: memref<!tpu.dma_semaphore, #tpu.memory_space<semaphore_mem>>) attributes {dimension_semantics = [#tpu.dimension_semantics<core_parallel>, #tpu.dimension_semantics<subcore_parallel>], iteration_bounds = array<i64: 2, 16>, scalar_prefetch = 0 : i64, scratch_operands = 4 : i64, tpu.core_type = #tpu.core_type<sc_vector_subcore>, window_params = [{transform_indices = #map}, {transform_indices = #map}, {transform_indices = #map1}]} {
    %mul3A = arith.constant 2 : i32
    %mul3A_0 = arith.muli %arg1, %mul3A : i32
    %add3A = arith.addi %mul3A_0, %arg0 : i32
    %mul3A_1 = arith.constant 8 : i32
    %mul3A_2 = arith.muli %add3A, %mul3A_1 : i32
    "tpu.region"() ({
      %run_scoped3A = tpu.sem_alloc : memref<!tpu.dma_semaphore, #tpu.memory_space<semaphore_mem>>
      %dma_start3A_168 = arith.constant 0 : i32
      %dma_start3A_169 = tpu.memref_slice %arg2[%mul3A_2, %dma_start3A_168] : memref<256x128xi32, #tpu.memory_space<hbm>> -> memref<8x128xi32, #tpu.memory_space<hbm>>
      %dma_start3A_170 = arith.constant 0 : i32
      %dma_start3A_171 = tpu.memref_slice %arg2[%mul3A_2, %dma_start3A_170] : memref<256x128xi32, #tpu.memory_space<hbm>> -> memref<8x128xi32, #tpu.memory_space<hbm>>
      tpu.enqueue_dma source(%dma_start3A_171 : memref<8x128xi32, #tpu.memory_space<hbm>>) target(%arg5 : memref<8x128xi32, #tpu.memory_space<vmem>>) target_semaphore(%run_scoped3A : memref<!tpu.dma_semaphore, #tpu.memory_space<semaphore_mem>>)
      %dma_wait3A_172 = arith.constant 0 : i32
      %dma_wait3A_173 = tpu.memref_slice %arg2[%mul3A_2, %dma_wait3A_172] : memref<256x128xi32, #tpu.memory_space<hbm>> -> memref<8x128xi32, #tpu.memory_space<hbm>>
      %dma_wait3A_174 = arith.constant 0 : i32
      %dma_wait3A_175 = tpu.memref_slice %arg2[%mul3A_2, %dma_wait3A_174] : memref<256x128xi32, #tpu.memory_space<hbm>> -> memref<8x128xi32, #tpu.memory_space<hbm>>
      tpu.wait_dma2 semaphore(%run_scoped3A : memref<!tpu.dma_semaphore, #tpu.memory_space<semaphore_mem>>) src(%dma_wait3A_175 : memref<8x128xi32, #tpu.memory_space<hbm>>) dst(%arg5 : memref<8x128xi32, #tpu.memory_space<vmem>>)
      tpu.yield
    }) : () -> ()
    %dma_start3A = arith.constant 0 : i32
    %dma_start3A_3 = arith.constant 0 : i32
    %dma_start3A_4 = arith.constant 0 : i32
    %dma_start3A_5 = tpu.memref_slice %arg6[%dma_start3A_3, %dma_start3A_4] : memref<1024x32xf32, #tpu.memory_space<vmem>> -> memref<128x32xf32, #tpu.memory_space<vmem>>
    %dma_start3A_6 = arith.constant 0 : i32
    %dma_start3A_7 = tpu.memref_slice %arg5[%dma_start3A, %dma_start3A_6] : memref<8x128xi32, #tpu.memory_space<vmem>> -> memref<1x128xi32, #tpu.memory_space<vmem>>
    %dma_start3A_8 = tpu.memref_squeeze %dma_start3A_7 : memref<1x128xi32, #tpu.memory_space<vmem>> -> memref<128xi32, #tpu.memory_space<vmem>>
    %dma_start3A_9 = arith.constant 0 : i32
    %dma_start3A_10 = arith.constant 0 : i32
    %dma_start3A_11 = tpu.memref_slice %arg3[%dma_start3A_9, %dma_start3A_10] : memref<1000000x32xf32, #tpu.memory_space<hbm>> -> memref<1000000x32xf32, #tpu.memory_space<hbm>>
    tpu.enqueue_indirect_dma source(%dma_start3A_11 : memref<1000000x32xf32, #tpu.memory_space<hbm>>) target(%dma_start3A_5 : memref<128x32xf32, #tpu.memory_space<vmem>>) offsets(%dma_start3A_8 : memref<128xi32, #tpu.memory_space<vmem>>) semaphore(%arg8 : memref<!tpu.dma_semaphore, #tpu.memory_space<semaphore_mem>>)
    %dma_start3A_12 = arith.constant 1 : i32
    %dma_start3A_13 = arith.constant 128 : i32
    %dma_start3A_14 = arith.constant 0 : i32
    %dma_start3A_15 = tpu.memref_slice %arg6[%dma_start3A_13, %dma_start3A_14] : memref<1024x32xf32, #tpu.memory_space<vmem>> -> memref<128x32xf32, #tpu.memory_space<vmem>>
    %dma_start3A_16 = arith.constant 0 : i32
    %dma_start3A_17 = tpu.memref_slice %arg5[%dma_start3A_12, %dma_start3A_16] : memref<8x128xi32, #tpu.memory_space<vmem>> -> memref<1x128xi32, #tpu.memory_space<vmem>>
    %dma_start3A_18 = tpu.memref_squeeze %dma_start3A_17 : memref<1x128xi32, #tpu.memory_space<vmem>> -> memref<128xi32, #tpu.memory_space<vmem>>
    %dma_start3A_19 = arith.constant 0 : i32
    %dma_start3A_20 = arith.constant 0 : i32
    %dma_start3A_21 = tpu.memref_slice %arg3[%dma_start3A_19, %dma_start3A_20] : memref<1000000x32xf32, #tpu.memory_space<hbm>> -> memref<1000000x32xf32, #tpu.memory_space<hbm>>
    tpu.enqueue_indirect_dma source(%dma_start3A_21 : memref<1000000x32xf32, #tpu.memory_space<hbm>>) target(%dma_start3A_15 : memref<128x32xf32, #tpu.memory_space<vmem>>) offsets(%dma_start3A_18 : memref<128xi32, #tpu.memory_space<vmem>>) semaphore(%arg8 : memref<!tpu.dma_semaphore, #tpu.memory_space<semaphore_mem>>)
    %dma_start3A_22 = arith.constant 2 : i32
    %dma_start3A_23 = arith.constant 256 : i32
    %dma_start3A_24 = arith.constant 0 : i32
    %dma_start3A_25 = tpu.memref_slice %arg6[%dma_start3A_23, %dma_start3A_24] : memref<1024x32xf32, #tpu.memory_space<vmem>> -> memref<128x32xf32, #tpu.memory_space<vmem>>
    %dma_start3A_26 = arith.constant 0 : i32
    %dma_start3A_27 = tpu.memref_slice %arg5[%dma_start3A_22, %dma_start3A_26] : memref<8x128xi32, #tpu.memory_space<vmem>> -> memref<1x128xi32, #tpu.memory_space<vmem>>
    %dma_start3A_28 = tpu.memref_squeeze %dma_start3A_27 : memref<1x128xi32, #tpu.memory_space<vmem>> -> memref<128xi32, #tpu.memory_space<vmem>>
    %dma_start3A_29 = arith.constant 0 : i32
    %dma_start3A_30 = arith.constant 0 : i32
    %dma_start3A_31 = tpu.memref_slice %arg3[%dma_start3A_29, %dma_start3A_30] : memref<1000000x32xf32, #tpu.memory_space<hbm>> -> memref<1000000x32xf32, #tpu.memory_space<hbm>>
    tpu.enqueue_indirect_dma source(%dma_start3A_31 : memref<1000000x32xf32, #tpu.memory_space<hbm>>) target(%dma_start3A_25 : memref<128x32xf32, #tpu.memory_space<vmem>>) offsets(%dma_start3A_28 : memref<128xi32, #tpu.memory_space<vmem>>) semaphore(%arg8 : memref<!tpu.dma_semaphore, #tpu.memory_space<semaphore_mem>>)
    %dma_start3A_32 = arith.constant 3 : i32
    %dma_start3A_33 = arith.constant 384 : i32
    %dma_start3A_34 = arith.constant 0 : i32
    %dma_start3A_35 = tpu.memref_slice %arg6[%dma_start3A_33, %dma_start3A_34] : memref<1024x32xf32, #tpu.memory_space<vmem>> -> memref<128x32xf32, #tpu.memory_space<vmem>>
    %dma_start3A_36 = arith.constant 0 : i32
    %dma_start3A_37 = tpu.memref_slice %arg5[%dma_start3A_32, %dma_start3A_36] : memref<8x128xi32, #tpu.memory_space<vmem>> -> memref<1x128xi32, #tpu.memory_space<vmem>>
    %dma_start3A_38 = tpu.memref_squeeze %dma_start3A_37 : memref<1x128xi32, #tpu.memory_space<vmem>> -> memref<128xi32, #tpu.memory_space<vmem>>
    %dma_start3A_39 = arith.constant 0 : i32
    %dma_start3A_40 = arith.constant 0 : i32
    %dma_start3A_41 = tpu.memref_slice %arg3[%dma_start3A_39, %dma_start3A_40] : memref<1000000x32xf32, #tpu.memory_space<hbm>> -> memref<1000000x32xf32, #tpu.memory_space<hbm>>
    tpu.enqueue_indirect_dma source(%dma_start3A_41 : memref<1000000x32xf32, #tpu.memory_space<hbm>>) target(%dma_start3A_35 : memref<128x32xf32, #tpu.memory_space<vmem>>) offsets(%dma_start3A_38 : memref<128xi32, #tpu.memory_space<vmem>>) semaphore(%arg8 : memref<!tpu.dma_semaphore, #tpu.memory_space<semaphore_mem>>)
    %dma_start3A_42 = arith.constant 4 : i32
    %dma_start3A_43 = arith.constant 512 : i32
    %dma_start3A_44 = arith.constant 0 : i32
    %dma_start3A_45 = tpu.memref_slice %arg6[%dma_start3A_43, %dma_start3A_44] : memref<1024x32xf32, #tpu.memory_space<vmem>> -> memref<128x32xf32, #tpu.memory_space<vmem>>
    %dma_start3A_46 = arith.constant 0 : i32
    %dma_start3A_47 = tpu.memref_slice %arg5[%dma_start3A_42, %dma_start3A_46] : memref<8x128xi32, #tpu.memory_space<vmem>> -> memref<1x128xi32, #tpu.memory_space<vmem>>
    %dma_start3A_48 = tpu.memref_squeeze %dma_start3A_47 : memref<1x128xi32, #tpu.memory_space<vmem>> -> memref<128xi32, #tpu.memory_space<vmem>>
    %dma_start3A_49 = arith.constant 0 : i32
    %dma_start3A_50 = arith.constant 0 : i32
    %dma_start3A_51 = tpu.memref_slice %arg3[%dma_start3A_49, %dma_start3A_50] : memref<1000000x32xf32, #tpu.memory_space<hbm>> -> memref<1000000x32xf32, #tpu.memory_space<hbm>>
    tpu.enqueue_indirect_dma source(%dma_start3A_51 : memref<1000000x32xf32, #tpu.memory_space<hbm>>) target(%dma_start3A_45 : memref<128x32xf32, #tpu.memory_space<vmem>>) offsets(%dma_start3A_48 : memref<128xi32, #tpu.memory_space<vmem>>) semaphore(%arg8 : memref<!tpu.dma_semaphore, #tpu.memory_space<semaphore_mem>>)
    %dma_start3A_52 = arith.constant 5 : i32
    %dma_start3A_53 = arith.constant 640 : i32
    %dma_start3A_54 = arith.constant 0 : i32
    %dma_start3A_55 = tpu.memref_slice %arg6[%dma_start3A_53, %dma_start3A_54] : memref<1024x32xf32, #tpu.memory_space<vmem>> -> memref<128x32xf32, #tpu.memory_space<vmem>>
    %dma_start3A_56 = arith.constant 0 : i32
    %dma_start3A_57 = tpu.memref_slice %arg5[%dma_start3A_52, %dma_start3A_56] : memref<8x128xi32, #tpu.memory_space<vmem>> -> memref<1x128xi32, #tpu.memory_space<vmem>>
    %dma_start3A_58 = tpu.memref_squeeze %dma_start3A_57 : memref<1x128xi32, #tpu.memory_space<vmem>> -> memref<128xi32, #tpu.memory_space<vmem>>
    %dma_start3A_59 = arith.constant 0 : i32
    %dma_start3A_60 = arith.constant 0 : i32
    %dma_start3A_61 = tpu.memref_slice %arg3[%dma_start3A_59, %dma_start3A_60] : memref<1000000x32xf32, #tpu.memory_space<hbm>> -> memref<1000000x32xf32, #tpu.memory_space<hbm>>
    tpu.enqueue_indirect_dma source(%dma_start3A_61 : memref<1000000x32xf32, #tpu.memory_space<hbm>>) target(%dma_start3A_55 : memref<128x32xf32, #tpu.memory_space<vmem>>) offsets(%dma_start3A_58 : memref<128xi32, #tpu.memory_space<vmem>>) semaphore(%arg8 : memref<!tpu.dma_semaphore, #tpu.memory_space<semaphore_mem>>)
    %dma_start3A_62 = arith.constant 6 : i32
    %dma_start3A_63 = arith.constant 768 : i32
    %dma_start3A_64 = arith.constant 0 : i32
    %dma_start3A_65 = tpu.memref_slice %arg6[%dma_start3A_63, %dma_start3A_64] : memref<1024x32xf32, #tpu.memory_space<vmem>> -> memref<128x32xf32, #tpu.memory_space<vmem>>
    %dma_start3A_66 = arith.constant 0 : i32
    %dma_start3A_67 = tpu.memref_slice %arg5[%dma_start3A_62, %dma_start3A_66] : memref<8x128xi32, #tpu.memory_space<vmem>> -> memref<1x128xi32, #tpu.memory_space<vmem>>
    %dma_start3A_68 = tpu.memref_squeeze %dma_start3A_67 : memref<1x128xi32, #tpu.memory_space<vmem>> -> memref<128xi32, #tpu.memory_space<vmem>>
    %dma_start3A_69 = arith.constant 0 : i32
    %dma_start3A_70 = arith.constant 0 : i32
    %dma_start3A_71 = tpu.memref_slice %arg3[%dma_start3A_69, %dma_start3A_70] : memref<1000000x32xf32, #tpu.memory_space<hbm>> -> memref<1000000x32xf32, #tpu.memory_space<hbm>>
    tpu.enqueue_indirect_dma source(%dma_start3A_71 : memref<1000000x32xf32, #tpu.memory_space<hbm>>) target(%dma_start3A_65 : memref<128x32xf32, #tpu.memory_space<vmem>>) offsets(%dma_start3A_68 : memref<128xi32, #tpu.memory_space<vmem>>) semaphore(%arg8 : memref<!tpu.dma_semaphore, #tpu.memory_space<semaphore_mem>>)
    %dma_start3A_72 = arith.constant 7 : i32
    %dma_start3A_73 = arith.constant 896 : i32
    %dma_start3A_74 = arith.constant 0 : i32
    %dma_start3A_75 = tpu.memref_slice %arg6[%dma_start3A_73, %dma_start3A_74] : memref<1024x32xf32, #tpu.memory_space<vmem>> -> memref<128x32xf32, #tpu.memory_space<vmem>>
    %dma_start3A_76 = arith.constant 0 : i32
    %dma_start3A_77 = tpu.memref_slice %arg5[%dma_start3A_72, %dma_start3A_76] : memref<8x128xi32, #tpu.memory_space<vmem>> -> memref<1x128xi32, #tpu.memory_space<vmem>>
    %dma_start3A_78 = tpu.memref_squeeze %dma_start3A_77 : memref<1x128xi32, #tpu.memory_space<vmem>> -> memref<128xi32, #tpu.memory_space<vmem>>
    %dma_start3A_79 = arith.constant 0 : i32
    %dma_start3A_80 = arith.constant 0 : i32
    %dma_start3A_81 = tpu.memref_slice %arg3[%dma_start3A_79, %dma_start3A_80] : memref<1000000x32xf32, #tpu.memory_space<hbm>> -> memref<1000000x32xf32, #tpu.memory_space<hbm>>
    tpu.enqueue_indirect_dma source(%dma_start3A_81 : memref<1000000x32xf32, #tpu.memory_space<hbm>>) target(%dma_start3A_75 : memref<128x32xf32, #tpu.memory_space<vmem>>) offsets(%dma_start3A_78 : memref<128xi32, #tpu.memory_space<vmem>>) semaphore(%arg8 : memref<!tpu.dma_semaphore, #tpu.memory_space<semaphore_mem>>)
    %dma_wait3A = arith.constant 0 : i32
    %dma_wait3A_82 = arith.constant 0 : i32
    %dma_wait3A_83 = arith.constant 0 : i32
    %dma_wait3A_84 = tpu.memref_slice %arg6[%dma_wait3A_82, %dma_wait3A_83] : memref<1024x32xf32, #tpu.memory_space<vmem>> -> memref<128x32xf32, #tpu.memory_space<vmem>>
    %dma_wait3A_85 = arith.constant 0 : i32
    %dma_wait3A_86 = tpu.memref_slice %arg5[%dma_wait3A, %dma_wait3A_85] : memref<8x128xi32, #tpu.memory_space<vmem>> -> memref<1x128xi32, #tpu.memory_space<vmem>>
    %dma_wait3A_87 = tpu.memref_squeeze %dma_wait3A_86 : memref<1x128xi32, #tpu.memory_space<vmem>> -> memref<128xi32, #tpu.memory_space<vmem>>
    %dma_wait3A_88 = arith.constant 0 : i32
    %dma_wait3A_89 = arith.constant 0 : i32
    %dma_wait3A_90 = tpu.memref_slice %arg3[%dma_wait3A_88, %dma_wait3A_89] : memref<1000000x32xf32, #tpu.memory_space<hbm>> -> memref<1000000x32xf32, #tpu.memory_space<hbm>>
    tpu.wait_indirect_dma semaphore(%arg8 : memref<!tpu.dma_semaphore, #tpu.memory_space<semaphore_mem>>) src(%dma_wait3A_90 : memref<1000000x32xf32, #tpu.memory_space<hbm>>) dst(%dma_wait3A_84 : memref<128x32xf32, #tpu.memory_space<vmem>>)
    %dma_wait3A_91 = arith.constant 1 : i32
    %dma_wait3A_92 = arith.constant 128 : i32
    %dma_wait3A_93 = arith.constant 0 : i32
    %dma_wait3A_94 = tpu.memref_slice %arg6[%dma_wait3A_92, %dma_wait3A_93] : memref<1024x32xf32, #tpu.memory_space<vmem>> -> memref<128x32xf32, #tpu.memory_space<vmem>>
    %dma_wait3A_95 = arith.constant 0 : i32
    %dma_wait3A_96 = tpu.memref_slice %arg5[%dma_wait3A_91, %dma_wait3A_95] : memref<8x128xi32, #tpu.memory_space<vmem>> -> memref<1x128xi32, #tpu.memory_space<vmem>>
    %dma_wait3A_97 = tpu.memref_squeeze %dma_wait3A_96 : memref<1x128xi32, #tpu.memory_space<vmem>> -> memref<128xi32, #tpu.memory_space<vmem>>
    %dma_wait3A_98 = arith.constant 0 : i32
    %dma_wait3A_99 = arith.constant 0 : i32
    %dma_wait3A_100 = tpu.memref_slice %arg3[%dma_wait3A_98, %dma_wait3A_99] : memref<1000000x32xf32, #tpu.memory_space<hbm>> -> memref<1000000x32xf32, #tpu.memory_space<hbm>>
    tpu.wait_indirect_dma semaphore(%arg8 : memref<!tpu.dma_semaphore, #tpu.memory_space<semaphore_mem>>) src(%dma_wait3A_100 : memref<1000000x32xf32, #tpu.memory_space<hbm>>) dst(%dma_wait3A_94 : memref<128x32xf32, #tpu.memory_space<vmem>>)
    %dma_wait3A_101 = arith.constant 2 : i32
    %dma_wait3A_102 = arith.constant 256 : i32
    %dma_wait3A_103 = arith.constant 0 : i32
    %dma_wait3A_104 = tpu.memref_slice %arg6[%dma_wait3A_102, %dma_wait3A_103] : memref<1024x32xf32, #tpu.memory_space<vmem>> -> memref<128x32xf32, #tpu.memory_space<vmem>>
    %dma_wait3A_105 = arith.constant 0 : i32
    %dma_wait3A_106 = tpu.memref_slice %arg5[%dma_wait3A_101, %dma_wait3A_105] : memref<8x128xi32, #tpu.memory_space<vmem>> -> memref<1x128xi32, #tpu.memory_space<vmem>>
    %dma_wait3A_107 = tpu.memref_squeeze %dma_wait3A_106 : memref<1x128xi32, #tpu.memory_space<vmem>> -> memref<128xi32, #tpu.memory_space<vmem>>
    %dma_wait3A_108 = arith.constant 0 : i32
    %dma_wait3A_109 = arith.constant 0 : i32
    %dma_wait3A_110 = tpu.memref_slice %arg3[%dma_wait3A_108, %dma_wait3A_109] : memref<1000000x32xf32, #tpu.memory_space<hbm>> -> memref<1000000x32xf32, #tpu.memory_space<hbm>>
    tpu.wait_indirect_dma semaphore(%arg8 : memref<!tpu.dma_semaphore, #tpu.memory_space<semaphore_mem>>) src(%dma_wait3A_110 : memref<1000000x32xf32, #tpu.memory_space<hbm>>) dst(%dma_wait3A_104 : memref<128x32xf32, #tpu.memory_space<vmem>>)
    %dma_wait3A_111 = arith.constant 3 : i32
    %dma_wait3A_112 = arith.constant 384 : i32
    %dma_wait3A_113 = arith.constant 0 : i32
    %dma_wait3A_114 = tpu.memref_slice %arg6[%dma_wait3A_112, %dma_wait3A_113] : memref<1024x32xf32, #tpu.memory_space<vmem>> -> memref<128x32xf32, #tpu.memory_space<vmem>>
    %dma_wait3A_115 = arith.constant 0 : i32
    %dma_wait3A_116 = tpu.memref_slice %arg5[%dma_wait3A_111, %dma_wait3A_115] : memref<8x128xi32, #tpu.memory_space<vmem>> -> memref<1x128xi32, #tpu.memory_space<vmem>>
    %dma_wait3A_117 = tpu.memref_squeeze %dma_wait3A_116 : memref<1x128xi32, #tpu.memory_space<vmem>> -> memref<128xi32, #tpu.memory_space<vmem>>
    %dma_wait3A_118 = arith.constant 0 : i32
    %dma_wait3A_119 = arith.constant 0 : i32
    %dma_wait3A_120 = tpu.memref_slice %arg3[%dma_wait3A_118, %dma_wait3A_119] : memref<1000000x32xf32, #tpu.memory_space<hbm>> -> memref<1000000x32xf32, #tpu.memory_space<hbm>>
    tpu.wait_indirect_dma semaphore(%arg8 : memref<!tpu.dma_semaphore, #tpu.memory_space<semaphore_mem>>) src(%dma_wait3A_120 : memref<1000000x32xf32, #tpu.memory_space<hbm>>) dst(%dma_wait3A_114 : memref<128x32xf32, #tpu.memory_space<vmem>>)
    %dma_wait3A_121 = arith.constant 4 : i32
    %dma_wait3A_122 = arith.constant 512 : i32
    %dma_wait3A_123 = arith.constant 0 : i32
    %dma_wait3A_124 = tpu.memref_slice %arg6[%dma_wait3A_122, %dma_wait3A_123] : memref<1024x32xf32, #tpu.memory_space<vmem>> -> memref<128x32xf32, #tpu.memory_space<vmem>>
    %dma_wait3A_125 = arith.constant 0 : i32
    %dma_wait3A_126 = tpu.memref_slice %arg5[%dma_wait3A_121, %dma_wait3A_125] : memref<8x128xi32, #tpu.memory_space<vmem>> -> memref<1x128xi32, #tpu.memory_space<vmem>>
    %dma_wait3A_127 = tpu.memref_squeeze %dma_wait3A_126 : memref<1x128xi32, #tpu.memory_space<vmem>> -> memref<128xi32, #tpu.memory_space<vmem>>
    %dma_wait3A_128 = arith.constant 0 : i32
    %dma_wait3A_129 = arith.constant 0 : i32
    %dma_wait3A_130 = tpu.memref_slice %arg3[%dma_wait3A_128, %dma_wait3A_129] : memref<1000000x32xf32, #tpu.memory_space<hbm>> -> memref<1000000x32xf32, #tpu.memory_space<hbm>>
    tpu.wait_indirect_dma semaphore(%arg8 : memref<!tpu.dma_semaphore, #tpu.memory_space<semaphore_mem>>) src(%dma_wait3A_130 : memref<1000000x32xf32, #tpu.memory_space<hbm>>) dst(%dma_wait3A_124 : memref<128x32xf32, #tpu.memory_space<vmem>>)
    %dma_wait3A_131 = arith.constant 5 : i32
    %dma_wait3A_132 = arith.constant 640 : i32
    %dma_wait3A_133 = arith.constant 0 : i32
    %dma_wait3A_134 = tpu.memref_slice %arg6[%dma_wait3A_132, %dma_wait3A_133] : memref<1024x32xf32, #tpu.memory_space<vmem>> -> memref<128x32xf32, #tpu.memory_space<vmem>>
    %dma_wait3A_135 = arith.constant 0 : i32
    %dma_wait3A_136 = tpu.memref_slice %arg5[%dma_wait3A_131, %dma_wait3A_135] : memref<8x128xi32, #tpu.memory_space<vmem>> -> memref<1x128xi32, #tpu.memory_space<vmem>>
    %dma_wait3A_137 = tpu.memref_squeeze %dma_wait3A_136 : memref<1x128xi32, #tpu.memory_space<vmem>> -> memref<128xi32, #tpu.memory_space<vmem>>
    %dma_wait3A_138 = arith.constant 0 : i32
    %dma_wait3A_139 = arith.constant 0 : i32
    %dma_wait3A_140 = tpu.memref_slice %arg3[%dma_wait3A_138, %dma_wait3A_139] : memref<1000000x32xf32, #tpu.memory_space<hbm>> -> memref<1000000x32xf32, #tpu.memory_space<hbm>>
    tpu.wait_indirect_dma semaphore(%arg8 : memref<!tpu.dma_semaphore, #tpu.memory_space<semaphore_mem>>) src(%dma_wait3A_140 : memref<1000000x32xf32, #tpu.memory_space<hbm>>) dst(%dma_wait3A_134 : memref<128x32xf32, #tpu.memory_space<vmem>>)
    %dma_wait3A_141 = arith.constant 6 : i32
    %dma_wait3A_142 = arith.constant 768 : i32
    %dma_wait3A_143 = arith.constant 0 : i32
    %dma_wait3A_144 = tpu.memref_slice %arg6[%dma_wait3A_142, %dma_wait3A_143] : memref<1024x32xf32, #tpu.memory_space<vmem>> -> memref<128x32xf32, #tpu.memory_space<vmem>>
    %dma_wait3A_145 = arith.constant 0 : i32
    %dma_wait3A_146 = tpu.memref_slice %arg5[%dma_wait3A_141, %dma_wait3A_145] : memref<8x128xi32, #tpu.memory_space<vmem>> -> memref<1x128xi32, #tpu.memory_space<vmem>>
    %dma_wait3A_147 = tpu.memref_squeeze %dma_wait3A_146 : memref<1x128xi32, #tpu.memory_space<vmem>> -> memref<128xi32, #tpu.memory_space<vmem>>
    %dma_wait3A_148 = arith.constant 0 : i32
    %dma_wait3A_149 = arith.constant 0 : i32
    %dma_wait3A_150 = tpu.memref_slice %arg3[%dma_wait3A_148, %dma_wait3A_149] : memref<1000000x32xf32, #tpu.memory_space<hbm>> -> memref<1000000x32xf32, #tpu.memory_space<hbm>>
    tpu.wait_indirect_dma semaphore(%arg8 : memref<!tpu.dma_semaphore, #tpu.memory_space<semaphore_mem>>) src(%dma_wait3A_150 : memref<1000000x32xf32, #tpu.memory_space<hbm>>) dst(%dma_wait3A_144 : memref<128x32xf32, #tpu.memory_space<vmem>>)
    %dma_wait3A_151 = arith.constant 7 : i32
    %dma_wait3A_152 = arith.constant 896 : i32
    %dma_wait3A_153 = arith.constant 0 : i32
    %dma_wait3A_154 = tpu.memref_slice %arg6[%dma_wait3A_152, %dma_wait3A_153] : memref<1024x32xf32, #tpu.memory_space<vmem>> -> memref<128x32xf32, #tpu.memory_space<vmem>>
    %dma_wait3A_155 = arith.constant 0 : i32
    %dma_wait3A_156 = tpu.memref_slice %arg5[%dma_wait3A_151, %dma_wait3A_155] : memref<8x128xi32, #tpu.memory_space<vmem>> -> memref<1x128xi32, #tpu.memory_space<vmem>>
    %dma_wait3A_157 = tpu.memref_squeeze %dma_wait3A_156 : memref<1x128xi32, #tpu.memory_space<vmem>> -> memref<128xi32, #tpu.memory_space<vmem>>
    %dma_wait3A_158 = arith.constant 0 : i32
    %dma_wait3A_159 = arith.constant 0 : i32
    %dma_wait3A_160 = tpu.memref_slice %arg3[%dma_wait3A_158, %dma_wait3A_159] : memref<1000000x32xf32, #tpu.memory_space<hbm>> -> memref<1000000x32xf32, #tpu.memory_space<hbm>>
    tpu.wait_indirect_dma semaphore(%arg8 : memref<!tpu.dma_semaphore, #tpu.memory_space<semaphore_mem>>) src(%dma_wait3A_160 : memref<1000000x32xf32, #tpu.memory_space<hbm>>) dst(%dma_wait3A_154 : memref<128x32xf32, #tpu.memory_space<vmem>>)
    %scan3A = arith.constant 0 : i32
    %scan3A_161 = arith.constant 0 : i32
    %scan3A_162 = arith.constant 32 : i32
    %scan3A_163 = arith.addi %scan3A_161, %scan3A_162 : i32
    %scan3A_164 = arith.constant 1 : i32
    scf.for %scan3A_168 = %scan3A_161 to %scan3A_163 step %scan3A_164  : i32 {
      %mul3A_169 = arith.constant 16 : i32
      %mul3A_170 = arith.muli %scan3A_168, %mul3A_169 : i32
      %iota3A = tpu.iota {dimensions = array<i32: 0>} : vector<16xi32>
      %add3A_171 = vector.broadcast %mul3A_170 : i32 to vector<16xi32>
      %add3A_172 = arith.addi %add3A_171, %iota3A : vector<16xi32>
      %mul3A_173 = arith.constant 2 : i32
      %mul3A_174 = vector.broadcast %mul3A_173 : i32 to vector<16xi32>
      %mul3A_175 = arith.muli %mul3A_174, %add3A_172 : vector<16xi32>
      %add3A_176 = arith.constant 1 : i32
      %add3A_177 = vector.broadcast %add3A_176 : i32 to vector<16xi32>
      %add3A_178 = arith.addi %mul3A_175, %add3A_177 : vector<16xi32>
      %broadcast_in_dim3A = arith.constant 0.000000e+00 : f32
      %broadcast_in_dim3A_179 = vector.broadcast %broadcast_in_dim3A : f32 to vector<16xf32>
      %broadcast_in_dim3A_180 = arith.constant 0.000000e+00 : f32
      %broadcast_in_dim3A_181 = vector.broadcast %broadcast_in_dim3A_180 : f32 to vector<16xf32>
      %broadcast_in_dim3A_182 = arith.constant 0.000000e+00 : f32
      %broadcast_in_dim3A_183 = vector.broadcast %broadcast_in_dim3A_182 : f32 to vector<16xf32>
      %broadcast_in_dim3A_184 = arith.constant 0 : i32
      %broadcast_in_dim3A_185 = vector.broadcast %broadcast_in_dim3A_184 : i32 to vector<16xi32>
      %gather3A = tpu.vector_load_idx %arg6[%mul3A_175, %broadcast_in_dim3A_185] : memref<1024x32xf32, #tpu.memory_space<vmem>>[vector<16xi32>, vector<16xi32>], vector<16xf32>,
      %gather3A_186 = tpu.vector_load_idx %arg6[%add3A_178, %broadcast_in_dim3A_185] : memref<1024x32xf32, #tpu.memory_space<vmem>>[vector<16xi32>, vector<16xi32>], vector<16xf32>,
      %mul3A_187 = arith.mulf %gather3A, %gather3A_186 : vector<16xf32>
      %add3A_188 = arith.addf %broadcast_in_dim3A_179, %mul3A_187 : vector<16xf32>
      %mul3A_189 = arith.mulf %gather3A, %gather3A : vector<16xf32>
      %add3A_190 = arith.addf %broadcast_in_dim3A_181, %mul3A_189 : vector<16xf32>
      %mul3A_191 = arith.mulf %gather3A_186, %gather3A_186 : vector<16xf32>
      %add3A_192 = arith.addf %broadcast_in_dim3A_183, %mul3A_191 : vector<16xf32>
      %broadcast_in_dim3A_193 = arith.constant 1 : i32
      %broadcast_in_dim3A_194 = vector.broadcast %broadcast_in_dim3A_193 : i32 to vector<16xi32>
      %gather3A_195 = tpu.vector_load_idx %arg6[%mul3A_175, %broadcast_in_dim3A_194] : memref<1024x32xf32, #tpu.memory_space<vmem>>[vector<16xi32>, vector<16xi32>], vector<16xf32>,
      %gather3A_196 = tpu.vector_load_idx %arg6[%add3A_178, %broadcast_in_dim3A_194] : memref<1024x32xf32, #tpu.memory_space<vmem>>[vector<16xi32>, vector<16xi32>], vector<16xf32>,
      %mul3A_197 = arith.mulf %gather3A_195, %gather3A_196 : vector<16xf32>
      %add3A_198 = arith.addf %add3A_188, %mul3A_197 : vector<16xf32>
      %mul3A_199 = arith.mulf %gather3A_195, %gather3A_195 : vector<16xf32>
      %add3A_200 = arith.addf %add3A_190, %mul3A_199 : vector<16xf32>
      %mul3A_201 = arith.mulf %gather3A_196, %gather3A_196 : vector<16xf32>
      %add3A_202 = arith.addf %add3A_192, %mul3A_201 : vector<16xf32>
      %broadcast_in_dim3A_203 = arith.constant 2 : i32
      %broadcast_in_dim3A_204 = vector.broadcast %broadcast_in_dim3A_203 : i32 to vector<16xi32>
      %gather3A_205 = tpu.vector_load_idx %arg6[%mul3A_175, %broadcast_in_dim3A_204] : memref<1024x32xf32, #tpu.memory_space<vmem>>[vector<16xi32>, vector<16xi32>], vector<16xf32>,
      %gather3A_206 = tpu.vector_load_idx %arg6[%add3A_178, %broadcast_in_dim3A_204] : memref<1024x32xf32, #tpu.memory_space<vmem>>[vector<16xi32>, vector<16xi32>], vector<16xf32>,
      %mul3A_207 = arith.mulf %gather3A_205, %gather3A_206 : vector<16xf32>
      %add3A_208 = arith.addf %add3A_198, %mul3A_207 : vector<16xf32>
      %mul3A_209 = arith.mulf %gather3A_205, %gather3A_205 : vector<16xf32>
      %add3A_210 = arith.addf %add3A_200, %mul3A_209 : vector<16xf32>
      %mul3A_211 = arith.mulf %gather3A_206, %gather3A_206 : vector<16xf32>
      %add3A_212 = arith.addf %add3A_202, %mul3A_211 : vector<16xf32>
      %broadcast_in_dim3A_213 = arith.constant 3 : i32
      %broadcast_in_dim3A_214 = vector.broadcast %broadcast_in_dim3A_213 : i32 to vector<16xi32>
      %gather3A_215 = tpu.vector_load_idx %arg6[%mul3A_175, %broadcast_in_dim3A_214] : memref<1024x32xf32, #tpu.memory_space<vmem>>[vector<16xi32>, vector<16xi32>], vector<16xf32>,
      %gather3A_216 = tpu.vector_load_idx %arg6[%add3A_178, %broadcast_in_dim3A_214] : memref<1024x32xf32, #tpu.memory_space<vmem>>[vector<16xi32>, vector<16xi32>], vector<16xf32>,
      %mul3A_217 = arith.mulf %gather3A_215, %gather3A_216 : vector<16xf32>
      %add3A_218 = arith.addf %add3A_208, %mul3A_217 : vector<16xf32>
      %mul3A_219 = arith.mulf %gather3A_215, %gather3A_215 : vector<16xf32>
      %add3A_220 = arith.addf %add3A_210, %mul3A_219 : vector<16xf32>
      %mul3A_221 = arith.mulf %gather3A_216, %gather3A_216 : vector<16xf32>
      %add3A_222 = arith.addf %add3A_212, %mul3A_221 : vector<16xf32>
      %broadcast_in_dim3A_223 = arith.constant 4 : i32
      %broadcast_in_dim3A_224 = vector.broadcast %broadcast_in_dim3A_223 : i32 to vector<16xi32>
      %gather3A_225 = tpu.vector_load_idx %arg6[%mul3A_175, %broadcast_in_dim3A_224] : memref<1024x32xf32, #tpu.memory_space<vmem>>[vector<16xi32>, vector<16xi32>], vector<16xf32>,
      %gather3A_226 = tpu.vector_load_idx %arg6[%add3A_178, %broadcast_in_dim3A_224] : memref<1024x32xf32, #tpu.memory_space<vmem>>[vector<16xi32>, vector<16xi32>], vector<16xf32>,
      %mul3A_227 = arith.mulf %gather3A_225, %gather3A_226 : vector<16xf32>
      %add3A_228 = arith.addf %add3A_218, %mul3A_227 : vector<16xf32>
      %mul3A_229 = arith.mulf %gather3A_225, %gather3A_225 : vector<16xf32>
      %add3A_230 = arith.addf %add3A_220, %mul3A_229 : vector<16xf32>
      %mul3A_231 = arith.mulf %gather3A_226, %gather3A_226 : vector<16xf32>
      %add3A_232 = arith.addf %add3A_222, %mul3A_231 : vector<16xf32>
      %broadcast_in_dim3A_233 = arith.constant 5 : i32
      %broadcast_in_dim3A_234 = vector.broadcast %broadcast_in_dim3A_233 : i32 to vector<16xi32>
      %gather3A_235 = tpu.vector_load_idx %arg6[%mul3A_175, %broadcast_in_dim3A_234] : memref<1024x32xf32, #tpu.memory_space<vmem>>[vector<16xi32>, vector<16xi32>], vector<16xf32>,
      %gather3A_236 = tpu.vector_load_idx %arg6[%add3A_178, %broadcast_in_dim3A_234] : memref<1024x32xf32, #tpu.memory_space<vmem>>[vector<16xi32>, vector<16xi32>], vector<16xf32>,
      %mul3A_237 = arith.mulf %gather3A_235, %gather3A_236 : vector<16xf32>
      %add3A_238 = arith.addf %add3A_228, %mul3A_237 : vector<16xf32>
      %mul3A_239 = arith.mulf %gather3A_235, %gather3A_235 : vector<16xf32>
      %add3A_240 = arith.addf %add3A_230, %mul3A_239 : vector<16xf32>
      %mul3A_241 = arith.mulf %gather3A_236, %gather3A_236 : vector<16xf32>
      %add3A_242 = arith.addf %add3A_232, %mul3A_241 : vector<16xf32>
      %broadcast_in_dim3A_243 = arith.constant 6 : i32
      %broadcast_in_dim3A_244 = vector.broadcast %broadcast_in_dim3A_243 : i32 to vector<16xi32>
      %gather3A_245 = tpu.vector_load_idx %arg6[%mul3A_175, %broadcast_in_dim3A_244] : memref<1024x32xf32, #tpu.memory_space<vmem>>[vector<16xi32>, vector<16xi32>], vector<16xf32>,
      %gather3A_246 = tpu.vector_load_idx %arg6[%add3A_178, %broadcast_in_dim3A_244] : memref<1024x32xf32, #tpu.memory_space<vmem>>[vector<16xi32>, vector<16xi32>], vector<16xf32>,
      %mul3A_247 = arith.mulf %gather3A_245, %gather3A_246 : vector<16xf32>
      %add3A_248 = arith.addf %add3A_238, %mul3A_247 : vector<16xf32>
      %mul3A_249 = arith.mulf %gather3A_245, %gather3A_245 : vector<16xf32>
      %add3A_250 = arith.addf %add3A_240, %mul3A_249 : vector<16xf32>
      %mul3A_251 = arith.mulf %gather3A_246, %gather3A_246 : vector<16xf32>
      %add3A_252 = arith.addf %add3A_242, %mul3A_251 : vector<16xf32>
      %broadcast_in_dim3A_253 = arith.constant 7 : i32
      %broadcast_in_dim3A_254 = vector.broadcast %broadcast_in_dim3A_253 : i32 to vector<16xi32>
      %gather3A_255 = tpu.vector_load_idx %arg6[%mul3A_175, %broadcast_in_dim3A_254] : memref<1024x32xf32, #tpu.memory_space<vmem>>[vector<16xi32>, vector<16xi32>], vector<16xf32>,
      %gather3A_256 = tpu.vector_load_idx %arg6[%add3A_178, %broadcast_in_dim3A_254] : memref<1024x32xf32, #tpu.memory_space<vmem>>[vector<16xi32>, vector<16xi32>], vector<16xf32>,
      %mul3A_257 = arith.mulf %gather3A_255, %gather3A_256 : vector<16xf32>
      %add3A_258 = arith.addf %add3A_248, %mul3A_257 : vector<16xf32>
      %mul3A_259 = arith.mulf %gather3A_255, %gather3A_255 : vector<16xf32>
      %add3A_260 = arith.addf %add3A_250, %mul3A_259 : vector<16xf32>
      %mul3A_261 = arith.mulf %gather3A_256, %gather3A_256 : vector<16xf32>
      %add3A_262 = arith.addf %add3A_252, %mul3A_261 : vector<16xf32>
      %broadcast_in_dim3A_263 = arith.constant 8 : i32
      %broadcast_in_dim3A_264 = vector.broadcast %broadcast_in_dim3A_263 : i32 to vector<16xi32>
      %gather3A_265 = tpu.vector_load_idx %arg6[%mul3A_175, %broadcast_in_dim3A_264] : memref<1024x32xf32, #tpu.memory_space<vmem>>[vector<16xi32>, vector<16xi32>], vector<16xf32>,
      %gather3A_266 = tpu.vector_load_idx %arg6[%add3A_178, %broadcast_in_dim3A_264] : memref<1024x32xf32, #tpu.memory_space<vmem>>[vector<16xi32>, vector<16xi32>], vector<16xf32>,
      %mul3A_267 = arith.mulf %gather3A_265, %gather3A_266 : vector<16xf32>
      %add3A_268 = arith.addf %add3A_258, %mul3A_267 : vector<16xf32>
      %mul3A_269 = arith.mulf %gather3A_265, %gather3A_265 : vector<16xf32>
      %add3A_270 = arith.addf %add3A_260, %mul3A_269 : vector<16xf32>
      %mul3A_271 = arith.mulf %gather3A_266, %gather3A_266 : vector<16xf32>
      %add3A_272 = arith.addf %add3A_262, %mul3A_271 : vector<16xf32>
      %broadcast_in_dim3A_273 = arith.constant 9 : i32
      %broadcast_in_dim3A_274 = vector.broadcast %broadcast_in_dim3A_273 : i32 to vector<16xi32>
      %gather3A_275 = tpu.vector_load_idx %arg6[%mul3A_175, %broadcast_in_dim3A_274] : memref<1024x32xf32, #tpu.memory_space<vmem>>[vector<16xi32>, vector<16xi32>], vector<16xf32>,
      %gather3A_276 = tpu.vector_load_idx %arg6[%add3A_178, %broadcast_in_dim3A_274] : memref<1024x32xf32, #tpu.memory_space<vmem>>[vector<16xi32>, vector<16xi32>], vector<16xf32>,
      %mul3A_277 = arith.mulf %gather3A_275, %gather3A_276 : vector<16xf32>
      %add3A_278 = arith.addf %add3A_268, %mul3A_277 : vector<16xf32>
      %mul3A_279 = arith.mulf %gather3A_275, %gather3A_275 : vector<16xf32>
      %add3A_280 = arith.addf %add3A_270, %mul3A_279 : vector<16xf32>
      %mul3A_281 = arith.mulf %gather3A_276, %gather3A_276 : vector<16xf32>
      %add3A_282 = arith.addf %add3A_272, %mul3A_281 : vector<16xf32>
      %broadcast_in_dim3A_283 = arith.constant 10 : i32
      %broadcast_in_dim3A_284 = vector.broadcast %broadcast_in_dim3A_283 : i32 to vector<16xi32>
      %gather3A_285 = tpu.vector_load_idx %arg6[%mul3A_175, %broadcast_in_dim3A_284] : memref<1024x32xf32, #tpu.memory_space<vmem>>[vector<16xi32>, vector<16xi32>], vector<16xf32>,
      %gather3A_286 = tpu.vector_load_idx %arg6[%add3A_178, %broadcast_in_dim3A_284] : memref<1024x32xf32, #tpu.memory_space<vmem>>[vector<16xi32>, vector<16xi32>], vector<16xf32>,
      %mul3A_287 = arith.mulf %gather3A_285, %gather3A_286 : vector<16xf32>
      %add3A_288 = arith.addf %add3A_278, %mul3A_287 : vector<16xf32>
      %mul3A_289 = arith.mulf %gather3A_285, %gather3A_285 : vector<16xf32>
      %add3A_290 = arith.addf %add3A_280, %mul3A_289 : vector<16xf32>
      %mul3A_291 = arith.mulf %gather3A_286, %gather3A_286 : vector<16xf32>
      %add3A_292 = arith.addf %add3A_282, %mul3A_291 : vector<16xf32>
      %broadcast_in_dim3A_293 = arith.constant 11 : i32
      %broadcast_in_dim3A_294 = vector.broadcast %broadcast_in_dim3A_293 : i32 to vector<16xi32>
      %gather3A_295 = tpu.vector_load_idx %arg6[%mul3A_175, %broadcast_in_dim3A_294] : memref<1024x32xf32, #tpu.memory_space<vmem>>[vector<16xi32>, vector<16xi32>], vector<16xf32>,
      %gather3A_296 = tpu.vector_load_idx %arg6[%add3A_178, %broadcast_in_dim3A_294] : memref<1024x32xf32, #tpu.memory_space<vmem>>[vector<16xi32>, vector<16xi32>], vector<16xf32>,
      %mul3A_297 = arith.mulf %gather3A_295, %gather3A_296 : vector<16xf32>
      %add3A_298 = arith.addf %add3A_288, %mul3A_297 : vector<16xf32>
      %mul3A_299 = arith.mulf %gather3A_295, %gather3A_295 : vector<16xf32>
      %add3A_300 = arith.addf %add3A_290, %mul3A_299 : vector<16xf32>
      %mul3A_301 = arith.mulf %gather3A_296, %gather3A_296 : vector<16xf32>
      %add3A_302 = arith.addf %add3A_292, %mul3A_301 : vector<16xf32>
      %broadcast_in_dim3A_303 = arith.constant 12 : i32
      %broadcast_in_dim3A_304 = vector.broadcast %broadcast_in_dim3A_303 : i32 to vector<16xi32>
      %gather3A_305 = tpu.vector_load_idx %arg6[%mul3A_175, %broadcast_in_dim3A_304] : memref<1024x32xf32, #tpu.memory_space<vmem>>[vector<16xi32>, vector<16xi32>], vector<16xf32>,
      %gather3A_306 = tpu.vector_load_idx %arg6[%add3A_178, %broadcast_in_dim3A_304] : memref<1024x32xf32, #tpu.memory_space<vmem>>[vector<16xi32>, vector<16xi32>], vector<16xf32>,
      %mul3A_307 = arith.mulf %gather3A_305, %gather3A_306 : vector<16xf32>
      %add3A_308 = arith.addf %add3A_298, %mul3A_307 : vector<16xf32>
      %mul3A_309 = arith.mulf %gather3A_305, %gather3A_305 : vector<16xf32>
      %add3A_310 = arith.addf %add3A_300, %mul3A_309 : vector<16xf32>
      %mul3A_311 = arith.mulf %gather3A_306, %gather3A_306 : vector<16xf32>
      %add3A_312 = arith.addf %add3A_302, %mul3A_311 : vector<16xf32>
      %broadcast_in_dim3A_313 = arith.constant 13 : i32
      %broadcast_in_dim3A_314 = vector.broadcast %broadcast_in_dim3A_313 : i32 to vector<16xi32>
      %gather3A_315 = tpu.vector_load_idx %arg6[%mul3A_175, %broadcast_in_dim3A_314] : memref<1024x32xf32, #tpu.memory_space<vmem>>[vector<16xi32>, vector<16xi32>], vector<16xf32>,
      %gather3A_316 = tpu.vector_load_idx %arg6[%add3A_178, %broadcast_in_dim3A_314] : memref<1024x32xf32, #tpu.memory_space<vmem>>[vector<16xi32>, vector<16xi32>], vector<16xf32>,
      %mul3A_317 = arith.mulf %gather3A_315, %gather3A_316 : vector<16xf32>
      %add3A_318 = arith.addf %add3A_308, %mul3A_317 : vector<16xf32>
      %mul3A_319 = arith.mulf %gather3A_315, %gather3A_315 : vector<16xf32>
      %add3A_320 = arith.addf %add3A_310, %mul3A_319 : vector<16xf32>
      %mul3A_321 = arith.mulf %gather3A_316, %gather3A_316 : vector<16xf32>
      %add3A_322 = arith.addf %add3A_312, %mul3A_321 : vector<16xf32>
      %broadcast_in_dim3A_323 = arith.constant 14 : i32
      %broadcast_in_dim3A_324 = vector.broadcast %broadcast_in_dim3A_323 : i32 to vector<16xi32>
      %gather3A_325 = tpu.vector_load_idx %arg6[%mul3A_175, %broadcast_in_dim3A_324] : memref<1024x32xf32, #tpu.memory_space<vmem>>[vector<16xi32>, vector<16xi32>], vector<16xf32>,
      %gather3A_326 = tpu.vector_load_idx %arg6[%add3A_178, %broadcast_in_dim3A_324] : memref<1024x32xf32, #tpu.memory_space<vmem>>[vector<16xi32>, vector<16xi32>], vector<16xf32>,
      %mul3A_327 = arith.mulf %gather3A_325, %gather3A_326 : vector<16xf32>
      %add3A_328 = arith.addf %add3A_318, %mul3A_327 : vector<16xf32>
      %mul3A_329 = arith.mulf %gather3A_325, %gather3A_325 : vector<16xf32>
      %add3A_330 = arith.addf %add3A_320, %mul3A_329 : vector<16xf32>
      %mul3A_331 = arith.mulf %gather3A_326, %gather3A_326 : vector<16xf32>
      %add3A_332 = arith.addf %add3A_322, %mul3A_331 : vector<16xf32>
      %broadcast_in_dim3A_333 = arith.constant 15 : i32
      %broadcast_in_dim3A_334 = vector.broadcast %broadcast_in_dim3A_333 : i32 to vector<16xi32>
      %gather3A_335 = tpu.vector_load_idx %arg6[%mul3A_175, %broadcast_in_dim3A_334] : memref<1024x32xf32, #tpu.memory_space<vmem>>[vector<16xi32>, vector<16xi32>], vector<16xf32>,
      %gather3A_336 = tpu.vector_load_idx %arg6[%add3A_178, %broadcast_in_dim3A_334] : memref<1024x32xf32, #tpu.memory_space<vmem>>[vector<16xi32>, vector<16xi32>], vector<16xf32>,
      %mul3A_337 = arith.mulf %gather3A_335, %gather3A_336 : vector<16xf32>
      %add3A_338 = arith.addf %add3A_328, %mul3A_337 : vector<16xf32>
      %mul3A_339 = arith.mulf %gather3A_335, %gather3A_335 : vector<16xf32>
      %add3A_340 = arith.addf %add3A_330, %mul3A_339 : vector<16xf32>
      %mul3A_341 = arith.mulf %gather3A_336, %gather3A_336 : vector<16xf32>
      %add3A_342 = arith.addf %add3A_332, %mul3A_341 : vector<16xf32>
      %broadcast_in_dim3A_343 = arith.constant 16 : i32
      %broadcast_in_dim3A_344 = vector.broadcast %broadcast_in_dim3A_343 : i32 to vector<16xi32>
      %gather3A_345 = tpu.vector_load_idx %arg6[%mul3A_175, %broadcast_in_dim3A_344] : memref<1024x32xf32, #tpu.memory_space<vmem>>[vector<16xi32>, vector<16xi32>], vector<16xf32>,
      %gather3A_346 = tpu.vector_load_idx %arg6[%add3A_178, %broadcast_in_dim3A_344] : memref<1024x32xf32, #tpu.memory_space<vmem>>[vector<16xi32>, vector<16xi32>], vector<16xf32>,
      %mul3A_347 = arith.mulf %gather3A_345, %gather3A_346 : vector<16xf32>
      %add3A_348 = arith.addf %add3A_338, %mul3A_347 : vector<16xf32>
      %mul3A_349 = arith.mulf %gather3A_345, %gather3A_345 : vector<16xf32>
      %add3A_350 = arith.addf %add3A_340, %mul3A_349 : vector<16xf32>
      %mul3A_351 = arith.mulf %gather3A_346, %gather3A_346 : vector<16xf32>
      %add3A_352 = arith.addf %add3A_342, %mul3A_351 : vector<16xf32>
      %broadcast_in_dim3A_353 = arith.constant 17 : i32
      %broadcast_in_dim3A_354 = vector.broadcast %broadcast_in_dim3A_353 : i32 to vector<16xi32>
      %gather3A_355 = tpu.vector_load_idx %arg6[%mul3A_175, %broadcast_in_dim3A_354] : memref<1024x32xf32, #tpu.memory_space<vmem>>[vector<16xi32>, vector<16xi32>], vector<16xf32>,
      %gather3A_356 = tpu.vector_load_idx %arg6[%add3A_178, %broadcast_in_dim3A_354] : memref<1024x32xf32, #tpu.memory_space<vmem>>[vector<16xi32>, vector<16xi32>], vector<16xf32>,
      %mul3A_357 = arith.mulf %gather3A_355, %gather3A_356 : vector<16xf32>
      %add3A_358 = arith.addf %add3A_348, %mul3A_357 : vector<16xf32>
      %mul3A_359 = arith.mulf %gather3A_355, %gather3A_355 : vector<16xf32>
      %add3A_360 = arith.addf %add3A_350, %mul3A_359 : vector<16xf32>
      %mul3A_361 = arith.mulf %gather3A_356, %gather3A_356 : vector<16xf32>
      %add3A_362 = arith.addf %add3A_352, %mul3A_361 : vector<16xf32>
      %broadcast_in_dim3A_363 = arith.constant 18 : i32
      %broadcast_in_dim3A_364 = vector.broadcast %broadcast_in_dim3A_363 : i32 to vector<16xi32>
      %gather3A_365 = tpu.vector_load_idx %arg6[%mul3A_175, %broadcast_in_dim3A_364] : memref<1024x32xf32, #tpu.memory_space<vmem>>[vector<16xi32>, vector<16xi32>], vector<16xf32>,
      %gather3A_366 = tpu.vector_load_idx %arg6[%add3A_178, %broadcast_in_dim3A_364] : memref<1024x32xf32, #tpu.memory_space<vmem>>[vector<16xi32>, vector<16xi32>], vector<16xf32>,
      %mul3A_367 = arith.mulf %gather3A_365, %gather3A_366 : vector<16xf32>
      %add3A_368 = arith.addf %add3A_358, %mul3A_367 : vector<16xf32>
      %mul3A_369 = arith.mulf %gather3A_365, %gather3A_365 : vector<16xf32>
      %add3A_370 = arith.addf %add3A_360, %mul3A_369 : vector<16xf32>
      %mul3A_371 = arith.mulf %gather3A_366, %gather3A_366 : vector<16xf32>
      %add3A_372 = arith.addf %add3A_362, %mul3A_371 : vector<16xf32>
      %broadcast_in_dim3A_373 = arith.constant 19 : i32
      %broadcast_in_dim3A_374 = vector.broadcast %broadcast_in_dim3A_373 : i32 to vector<16xi32>
      %gather3A_375 = tpu.vector_load_idx %arg6[%mul3A_175, %broadcast_in_dim3A_374] : memref<1024x32xf32, #tpu.memory_space<vmem>>[vector<16xi32>, vector<16xi32>], vector<16xf32>,
      %gather3A_376 = tpu.vector_load_idx %arg6[%add3A_178, %broadcast_in_dim3A_374] : memref<1024x32xf32, #tpu.memory_space<vmem>>[vector<16xi32>, vector<16xi32>], vector<16xf32>,
      %mul3A_377 = arith.mulf %gather3A_375, %gather3A_376 : vector<16xf32>
      %add3A_378 = arith.addf %add3A_368, %mul3A_377 : vector<16xf32>
      %mul3A_379 = arith.mulf %gather3A_375, %gather3A_375 : vector<16xf32>
      %add3A_380 = arith.addf %add3A_370, %mul3A_379 : vector<16xf32>
      %mul3A_381 = arith.mulf %gather3A_376, %gather3A_376 : vector<16xf32>
      %add3A_382 = arith.addf %add3A_372, %mul3A_381 : vector<16xf32>
      %broadcast_in_dim3A_383 = arith.constant 20 : i32
      %broadcast_in_dim3A_384 = vector.broadcast %broadcast_in_dim3A_383 : i32 to vector<16xi32>
      %gather3A_385 = tpu.vector_load_idx %arg6[%mul3A_175, %broadcast_in_dim3A_384] : memref<1024x32xf32, #tpu.memory_space<vmem>>[vector<16xi32>, vector<16xi32>], vector<16xf32>,
      %gather3A_386 = tpu.vector_load_idx %arg6[%add3A_178, %broadcast_in_dim3A_384] : memref<1024x32xf32, #tpu.memory_space<vmem>>[vector<16xi32>, vector<16xi32>], vector<16xf32>,
      %mul3A_387 = arith.mulf %gather3A_385, %gather3A_386 : vector<16xf32>
      %add3A_388 = arith.addf %add3A_378, %mul3A_387 : vector<16xf32>
      %mul3A_389 = arith.mulf %gather3A_385, %gather3A_385 : vector<16xf32>
      %add3A_390 = arith.addf %add3A_380, %mul3A_389 : vector<16xf32>
      %mul3A_391 = arith.mulf %gather3A_386, %gather3A_386 : vector<16xf32>
      %add3A_392 = arith.addf %add3A_382, %mul3A_391 : vector<16xf32>
      %broadcast_in_dim3A_393 = arith.constant 21 : i32
      %broadcast_in_dim3A_394 = vector.broadcast %broadcast_in_dim3A_393 : i32 to vector<16xi32>
      %gather3A_395 = tpu.vector_load_idx %arg6[%mul3A_175, %broadcast_in_dim3A_394] : memref<1024x32xf32, #tpu.memory_space<vmem>>[vector<16xi32>, vector<16xi32>], vector<16xf32>,
      %gather3A_396 = tpu.vector_load_idx %arg6[%add3A_178, %broadcast_in_dim3A_394] : memref<1024x32xf32, #tpu.memory_space<vmem>>[vector<16xi32>, vector<16xi32>], vector<16xf32>,
      %mul3A_397 = arith.mulf %gather3A_395, %gather3A_396 : vector<16xf32>
      %add3A_398 = arith.addf %add3A_388, %mul3A_397 : vector<16xf32>
      %mul3A_399 = arith.mulf %gather3A_395, %gather3A_395 : vector<16xf32>
      %add3A_400 = arith.addf %add3A_390, %mul3A_399 : vector<16xf32>
      %mul3A_401 = arith.mulf %gather3A_396, %gather3A_396 : vector<16xf32>
      %add3A_402 = arith.addf %add3A_392, %mul3A_401 : vector<16xf32>
      %broadcast_in_dim3A_403 = arith.constant 22 : i32
      %broadcast_in_dim3A_404 = vector.broadcast %broadcast_in_dim3A_403 : i32 to vector<16xi32>
      %gather3A_405 = tpu.vector_load_idx %arg6[%mul3A_175, %broadcast_in_dim3A_404] : memref<1024x32xf32, #tpu.memory_space<vmem>>[vector<16xi32>, vector<16xi32>], vector<16xf32>,
      %gather3A_406 = tpu.vector_load_idx %arg6[%add3A_178, %broadcast_in_dim3A_404] : memref<1024x32xf32, #tpu.memory_space<vmem>>[vector<16xi32>, vector<16xi32>], vector<16xf32>,
      %mul3A_407 = arith.mulf %gather3A_405, %gather3A_406 : vector<16xf32>
      %add3A_408 = arith.addf %add3A_398, %mul3A_407 : vector<16xf32>
      %mul3A_409 = arith.mulf %gather3A_405, %gather3A_405 : vector<16xf32>
      %add3A_410 = arith.addf %add3A_400, %mul3A_409 : vector<16xf32>
      %mul3A_411 = arith.mulf %gather3A_406, %gather3A_406 : vector<16xf32>
      %add3A_412 = arith.addf %add3A_402, %mul3A_411 : vector<16xf32>
      %broadcast_in_dim3A_413 = arith.constant 23 : i32
      %broadcast_in_dim3A_414 = vector.broadcast %broadcast_in_dim3A_413 : i32 to vector<16xi32>
      %gather3A_415 = tpu.vector_load_idx %arg6[%mul3A_175, %broadcast_in_dim3A_414] : memref<1024x32xf32, #tpu.memory_space<vmem>>[vector<16xi32>, vector<16xi32>], vector<16xf32>,
      %gather3A_416 = tpu.vector_load_idx %arg6[%add3A_178, %broadcast_in_dim3A_414] : memref<1024x32xf32, #tpu.memory_space<vmem>>[vector<16xi32>, vector<16xi32>], vector<16xf32>,
      %mul3A_417 = arith.mulf %gather3A_415, %gather3A_416 : vector<16xf32>
      %add3A_418 = arith.addf %add3A_408, %mul3A_417 : vector<16xf32>
      %mul3A_419 = arith.mulf %gather3A_415, %gather3A_415 : vector<16xf32>
      %add3A_420 = arith.addf %add3A_410, %mul3A_419 : vector<16xf32>
      %mul3A_421 = arith.mulf %gather3A_416, %gather3A_416 : vector<16xf32>
      %add3A_422 = arith.addf %add3A_412, %mul3A_421 : vector<16xf32>
      %broadcast_in_dim3A_423 = arith.constant 24 : i32
      %broadcast_in_dim3A_424 = vector.broadcast %broadcast_in_dim3A_423 : i32 to vector<16xi32>
      %gather3A_425 = tpu.vector_load_idx %arg6[%mul3A_175, %broadcast_in_dim3A_424] : memref<1024x32xf32, #tpu.memory_space<vmem>>[vector<16xi32>, vector<16xi32>], vector<16xf32>,
      %gather3A_426 = tpu.vector_load_idx %arg6[%add3A_178, %broadcast_in_dim3A_424] : memref<1024x32xf32, #tpu.memory_space<vmem>>[vector<16xi32>, vector<16xi32>], vector<16xf32>,
      %mul3A_427 = arith.mulf %gather3A_425, %gather3A_426 : vector<16xf32>
      %add3A_428 = arith.addf %add3A_418, %mul3A_427 : vector<16xf32>
      %mul3A_429 = arith.mulf %gather3A_425, %gather3A_425 : vector<16xf32>
      %add3A_430 = arith.addf %add3A_420, %mul3A_429 : vector<16xf32>
      %mul3A_431 = arith.mulf %gather3A_426, %gather3A_426 : vector<16xf32>
      %add3A_432 = arith.addf %add3A_422, %mul3A_431 : vector<16xf32>
      %broadcast_in_dim3A_433 = arith.constant 25 : i32
      %broadcast_in_dim3A_434 = vector.broadcast %broadcast_in_dim3A_433 : i32 to vector<16xi32>
      %gather3A_435 = tpu.vector_load_idx %arg6[%mul3A_175, %broadcast_in_dim3A_434] : memref<1024x32xf32, #tpu.memory_space<vmem>>[vector<16xi32>, vector<16xi32>], vector<16xf32>,
      %gather3A_436 = tpu.vector_load_idx %arg6[%add3A_178, %broadcast_in_dim3A_434] : memref<1024x32xf32, #tpu.memory_space<vmem>>[vector<16xi32>, vector<16xi32>], vector<16xf32>,
      %mul3A_437 = arith.mulf %gather3A_435, %gather3A_436 : vector<16xf32>
      %add3A_438 = arith.addf %add3A_428, %mul3A_437 : vector<16xf32>
      %mul3A_439 = arith.mulf %gather3A_435, %gather3A_435 : vector<16xf32>
      %add3A_440 = arith.addf %add3A_430, %mul3A_439 : vector<16xf32>
      %mul3A_441 = arith.mulf %gather3A_436, %gather3A_436 : vector<16xf32>
      %add3A_442 = arith.addf %add3A_432, %mul3A_441 : vector<16xf32>
      %broadcast_in_dim3A_443 = arith.constant 26 : i32
      %broadcast_in_dim3A_444 = vector.broadcast %broadcast_in_dim3A_443 : i32 to vector<16xi32>
      %gather3A_445 = tpu.vector_load_idx %arg6[%mul3A_175, %broadcast_in_dim3A_444] : memref<1024x32xf32, #tpu.memory_space<vmem>>[vector<16xi32>, vector<16xi32>], vector<16xf32>,
      %gather3A_446 = tpu.vector_load_idx %arg6[%add3A_178, %broadcast_in_dim3A_444] : memref<1024x32xf32, #tpu.memory_space<vmem>>[vector<16xi32>, vector<16xi32>], vector<16xf32>,
      %mul3A_447 = arith.mulf %gather3A_445, %gather3A_446 : vector<16xf32>
      %add3A_448 = arith.addf %add3A_438, %mul3A_447 : vector<16xf32>
      %mul3A_449 = arith.mulf %gather3A_445, %gather3A_445 : vector<16xf32>
      %add3A_450 = arith.addf %add3A_440, %mul3A_449 : vector<16xf32>
      %mul3A_451 = arith.mulf %gather3A_446, %gather3A_446 : vector<16xf32>
      %add3A_452 = arith.addf %add3A_442, %mul3A_451 : vector<16xf32>
      %broadcast_in_dim3A_453 = arith.constant 27 : i32
      %broadcast_in_dim3A_454 = vector.broadcast %broadcast_in_dim3A_453 : i32 to vector<16xi32>
      %gather3A_455 = tpu.vector_load_idx %arg6[%mul3A_175, %broadcast_in_dim3A_454] : memref<1024x32xf32, #tpu.memory_space<vmem>>[vector<16xi32>, vector<16xi32>], vector<16xf32>,
      %gather3A_456 = tpu.vector_load_idx %arg6[%add3A_178, %broadcast_in_dim3A_454] : memref<1024x32xf32, #tpu.memory_space<vmem>>[vector<16xi32>, vector<16xi32>], vector<16xf32>,
      %mul3A_457 = arith.mulf %gather3A_455, %gather3A_456 : vector<16xf32>
      %add3A_458 = arith.addf %add3A_448, %mul3A_457 : vector<16xf32>
      %mul3A_459 = arith.mulf %gather3A_455, %gather3A_455 : vector<16xf32>
      %add3A_460 = arith.addf %add3A_450, %mul3A_459 : vector<16xf32>
      %mul3A_461 = arith.mulf %gather3A_456, %gather3A_456 : vector<16xf32>
      %add3A_462 = arith.addf %add3A_452, %mul3A_461 : vector<16xf32>
      %broadcast_in_dim3A_463 = arith.constant 28 : i32
      %broadcast_in_dim3A_464 = vector.broadcast %broadcast_in_dim3A_463 : i32 to vector<16xi32>
      %gather3A_465 = tpu.vector_load_idx %arg6[%mul3A_175, %broadcast_in_dim3A_464] : memref<1024x32xf32, #tpu.memory_space<vmem>>[vector<16xi32>, vector<16xi32>], vector<16xf32>,
      %gather3A_466 = tpu.vector_load_idx %arg6[%add3A_178, %broadcast_in_dim3A_464] : memref<1024x32xf32, #tpu.memory_space<vmem>>[vector<16xi32>, vector<16xi32>], vector<16xf32>,
      %mul3A_467 = arith.mulf %gather3A_465, %gather3A_466 : vector<16xf32>
      %add3A_468 = arith.addf %add3A_458, %mul3A_467 : vector<16xf32>
      %mul3A_469 = arith.mulf %gather3A_465, %gather3A_465 : vector<16xf32>
      %add3A_470 = arith.addf %add3A_460, %mul3A_469 : vector<16xf32>
      %mul3A_471 = arith.mulf %gather3A_466, %gather3A_466 : vector<16xf32>
      %add3A_472 = arith.addf %add3A_462, %mul3A_471 : vector<16xf32>
      %broadcast_in_dim3A_473 = arith.constant 29 : i32
      %broadcast_in_dim3A_474 = vector.broadcast %broadcast_in_dim3A_473 : i32 to vector<16xi32>
      %gather3A_475 = tpu.vector_load_idx %arg6[%mul3A_175, %broadcast_in_dim3A_474] : memref<1024x32xf32, #tpu.memory_space<vmem>>[vector<16xi32>, vector<16xi32>], vector<16xf32>,
      %gather3A_476 = tpu.vector_load_idx %arg6[%add3A_178, %broadcast_in_dim3A_474] : memref<1024x32xf32, #tpu.memory_space<vmem>>[vector<16xi32>, vector<16xi32>], vector<16xf32>,
      %mul3A_477 = arith.mulf %gather3A_475, %gather3A_476 : vector<16xf32>
      %add3A_478 = arith.addf %add3A_468, %mul3A_477 : vector<16xf32>
      %mul3A_479 = arith.mulf %gather3A_475, %gather3A_475 : vector<16xf32>
      %add3A_480 = arith.addf %add3A_470, %mul3A_479 : vector<16xf32>
      %mul3A_481 = arith.mulf %gather3A_476, %gather3A_476 : vector<16xf32>
      %add3A_482 = arith.addf %add3A_472, %mul3A_481 : vector<16xf32>
      %broadcast_in_dim3A_483 = arith.constant 30 : i32
      %broadcast_in_dim3A_484 = vector.broadcast %broadcast_in_dim3A_483 : i32 to vector<16xi32>
      %gather3A_485 = tpu.vector_load_idx %arg6[%mul3A_175, %broadcast_in_dim3A_484] : memref<1024x32xf32, #tpu.memory_space<vmem>>[vector<16xi32>, vector<16xi32>], vector<16xf32>,
      %gather3A_486 = tpu.vector_load_idx %arg6[%add3A_178, %broadcast_in_dim3A_484] : memref<1024x32xf32, #tpu.memory_space<vmem>>[vector<16xi32>, vector<16xi32>], vector<16xf32>,
      %mul3A_487 = arith.mulf %gather3A_485, %gather3A_486 : vector<16xf32>
      %add3A_488 = arith.addf %add3A_478, %mul3A_487 : vector<16xf32>
      %mul3A_489 = arith.mulf %gather3A_485, %gather3A_485 : vector<16xf32>
      %add3A_490 = arith.addf %add3A_480, %mul3A_489 : vector<16xf32>
      %mul3A_491 = arith.mulf %gather3A_486, %gather3A_486 : vector<16xf32>
      %add3A_492 = arith.addf %add3A_482, %mul3A_491 : vector<16xf32>
      %broadcast_in_dim3A_493 = arith.constant 31 : i32
      %broadcast_in_dim3A_494 = vector.broadcast %broadcast_in_dim3A_493 : i32 to vector<16xi32>
      %gather3A_495 = tpu.vector_load_idx %arg6[%mul3A_175, %broadcast_in_dim3A_494] : memref<1024x32xf32, #tpu.memory_space<vmem>>[vector<16xi32>, vector<16xi32>], vector<16xf32>,
      %gather3A_496 = tpu.vector_load_idx %arg6[%add3A_178, %broadcast_in_dim3A_494] : memref<1024x32xf32, #tpu.memory_space<vmem>>[vector<16xi32>, vector<16xi32>], vector<16xf32>,
      %mul3A_497 = arith.mulf %gather3A_495, %gather3A_496 : vector<16xf32>
      %add3A_498 = arith.addf %add3A_488, %mul3A_497 : vector<16xf32>
      %mul3A_499 = arith.mulf %gather3A_495, %gather3A_495 : vector<16xf32>
      %add3A_500 = arith.addf %add3A_490, %mul3A_499 : vector<16xf32>
      %mul3A_501 = arith.mulf %gather3A_496, %gather3A_496 : vector<16xf32>
      %add3A_502 = arith.addf %add3A_492, %mul3A_501 : vector<16xf32>
      %add3A_503 = arith.constant 1.000000e+00 : f32
      %add3A_504 = vector.broadcast %add3A_503 : f32 to vector<16xf32>
      %add3A_505 = arith.addf %add3A_504, %add3A_500 : vector<16xf32>
      %add3A_506 = arith.constant 1.000000e+00 : f32
      %add3A_507 = vector.broadcast %add3A_506 : f32 to vector<16xf32>
      %add3A_508 = arith.addf %add3A_507, %add3A_502 : vector<16xf32>
      %mul3A_509 = arith.mulf %add3A_505, %add3A_508 : vector<16xf32>
      %bitcast3A = vector.bitcast %mul3A_509 : vector<16xf32> to vector<16xi32>
      %shift_right_arithmetic3A = arith.constant 1 : i32
      %shift_right_arithmetic3A_510 = vector.broadcast %shift_right_arithmetic3A : i32 to vector<16xi32>
      %shift_right_arithmetic3A_511 = arith.shrsi %bitcast3A, %shift_right_arithmetic3A_510 : vector<16xi32>
      %add3A_512 = arith.constant 532487670 : i32
      %add3A_513 = vector.broadcast %add3A_512 : i32 to vector<16xi32>
      %add3A_514 = arith.addi %shift_right_arithmetic3A_511, %add3A_513 : vector<16xi32>
      %bitcast3A_515 = vector.bitcast %add3A_514 : vector<16xi32> to vector<16xf32>
      %div3A = arith.divf %mul3A_509, %bitcast3A_515 : vector<16xf32>
      %add3A_516 = arith.addf %bitcast3A_515, %div3A : vector<16xf32>
      %mul3A_517 = arith.constant 5.000000e-01 : f32
      %mul3A_518 = vector.broadcast %mul3A_517 : f32 to vector<16xf32>
      %mul3A_519 = arith.mulf %mul3A_518, %add3A_516 : vector<16xf32>
      %div3A_520 = arith.divf %mul3A_509, %mul3A_519 : vector<16xf32>
      %add3A_521 = arith.addf %mul3A_519, %div3A_520 : vector<16xf32>
      %mul3A_522 = arith.constant 5.000000e-01 : f32
      %mul3A_523 = vector.broadcast %mul3A_522 : f32 to vector<16xf32>
      %mul3A_524 = arith.mulf %mul3A_523, %add3A_521 : vector<16xf32>
      %div3A_525 = arith.divf %mul3A_509, %mul3A_524 : vector<16xf32>
      %add3A_526 = arith.addf %mul3A_524, %div3A_525 : vector<16xf32>
      %mul3A_527 = arith.constant 5.000000e-01 : f32
      %mul3A_528 = vector.broadcast %mul3A_527 : f32 to vector<16xf32>
      %mul3A_529 = arith.mulf %mul3A_528, %add3A_526 : vector<16xf32>
      %mul3A_530 = arith.constant 2.000000e+00 : f32
      %mul3A_531 = vector.broadcast %mul3A_530 : f32 to vector<16xf32>
      %mul3A_532 = arith.mulf %mul3A_531, %mul3A_529 : vector<16xf32>
      %mul3A_533 = arith.constant 2.000000e+00 : f32
      %mul3A_534 = vector.broadcast %mul3A_533 : f32 to vector<16xf32>
      %mul3A_535 = arith.mulf %mul3A_534, %add3A_498 : vector<16xf32>
      %sub3A = arith.subf %mul3A_532, %mul3A_535 : vector<16xf32>
      %add3A_536 = arith.constant -1.999990e+00 : f32
      %add3A_537 = vector.broadcast %add3A_536 : f32 to vector<16xf32>
      %add3A_538 = arith.addf %sub3A, %add3A_537 : vector<16xf32>
      %mul3A_539 = arith.constant 16 : i32
      %mul3A_540 = arith.muli %scan3A_168, %mul3A_539 : i32
      %swap3A = arith.index_cast %mul3A_540 : i32 to index
      %swap3A_541 = tpu.vector_load %arg7[%swap3A] {strides = array<i32>} : memref<512xf32, #tpu.memory_space<vmem>>, vector<16xf32>,
      tpu.vector_store %arg7[%swap3A], %add3A_538 {strides = array<i32>} : memref<512xf32, #tpu.memory_space<vmem>>, vector<16xf32>,
    }
    %scan3A_165 = arith.constant 32 : i32
    %mul3A_166 = arith.constant 512 : i32
    %mul3A_167 = arith.muli %add3A, %mul3A_166 : i32
    "tpu.region"() ({
      %run_scoped3A = tpu.sem_alloc : memref<!tpu.dma_semaphore, #tpu.memory_space<semaphore_mem>>
      %dma_start3A_168 = tpu.memref_slice %arg4[%mul3A_167] : memref<16384xf32, #tpu.memory_space<hbm>> -> memref<512xf32, #tpu.memory_space<hbm>>
      %dma_start3A_169 = tpu.memref_slice %arg4[%mul3A_167] : memref<16384xf32, #tpu.memory_space<hbm>> -> memref<512xf32, #tpu.memory_space<hbm>>
      tpu.enqueue_dma source(%arg7 : memref<512xf32, #tpu.memory_space<vmem>>) target(%dma_start3A_169 : memref<512xf32, #tpu.memory_space<hbm>>) target_semaphore(%run_scoped3A : memref<!tpu.dma_semaphore, #tpu.memory_space<semaphore_mem>>)
      %dma_wait3A_170 = tpu.memref_slice %arg4[%mul3A_167] : memref<16384xf32, #tpu.memory_space<hbm>> -> memref<512xf32, #tpu.memory_space<hbm>>
      %dma_wait3A_171 = tpu.memref_slice %arg4[%mul3A_167] : memref<16384xf32, #tpu.memory_space<hbm>> -> memref<512xf32, #tpu.memory_space<hbm>>
      tpu.wait_dma2 semaphore(%run_scoped3A : memref<!tpu.dma_semaphore, #tpu.memory_space<semaphore_mem>>) src(%arg7 : memref<512xf32, #tpu.memory_space<vmem>>) dst(%dma_wait3A_171 : memref<512xf32, #tpu.memory_space<hbm>>)
      tpu.yield
    }) : () -> ()
    return
  }
}

</mosaic_0001>

<sc_bundles>
// kernel: kernel.3.cloned.1.call-start
scs
__scs_entry_jumppad:
0x0: {  	(pc) =	sbr.rel $0x88, $3  }
0x1: {  	(tag) =	ssettag $0x0;
	lr =	simm.s32 $0x1  }
0x2: {  	[smem:$0x3F9F] =	sst lr;
	_ =	strace $0xD0000000  }
0x3: {  	_ = 	snop  }
0x4: {  	_ = 	snop  }
0x5: {  	_ = 	snop  }
0x6: {  	_ = 	snop  }
0x7: {  	_ = 	snop  }
__scs_overlays_trampoline_lowered:
0x8: {  	[smem:$0x3FAE] =	sst s0  }
0x9: {  	[smem:$0x3FAF] =	sst s1  }
0xa: {  	[smem:$0x3FB0] =	sst s2  }
0xb: {  	[smem:$0x3FB1] =	sst s3  }
0xc: {  	[smem:$0x3FB2] =	sst s4  }
0xd: {  	[smem:$0x3FB3] =	sst s5  }
0xe: {  	[smem:$0x3FB4] =	sst s6  }
0xf: {  	[smem:$0x3FB5] =	sst s7  }
0x10: {  	[smem:$0x3FB6] =	sst s8  }
0x11: {  	[smem:$0x3FB7] =	sst s9;
	s0 =	simm.s32 @!p0 $0x0  }
0x12: {  	s1 =	sld [smem:$0x3F9D];
	s0 =	simm.s32 @p0 $0x1  }
0x13: {  	[smem:$0x3FB8] =	sst s0;
	s0 =	simm.s32 @!p1 $0x0  }
0x14: {  	s2 =	sld [smem:$0x3F9C];
	s0 =	simm.s32 @p1 $0x1  }
0x15: {  	[smem:$0x3FB9] =	sst s0;
	s0 =	simm.s32 @!p2 $0x0  }
0x16: {  	s3 =	sld [smem:$0x3FDB];
	s0 =	simm.s32 @p2 $0x1  }
0x17: {  	s4 =	simm.s32 $0x1BF5;
	[smem:$0x3FBB] =	sst s0  }
0x18: {  	s0 =	sld [smem:$0x3F9E];
	_ =	swait.ge [sflag:s4], $0x0  }
0x19: {  	s7 =	sld [smem:$0x3F9F]  }
0x1a: {  	s8 =	sadd.s32 $0xFFFFE003, lr  }
0x1b: {  	s9 =	sadd.s32 $0xFFFFFEF7, lr;
	s5 =	simm.s32 $0xFFFFFFFF;
	p2 =	slt.u32 s8, $0xFFFFF086  }
0x1c: {  	p1 =	slt.u32 s9, $0xF7A;
	s5 =	simm.s32 @!p2 $0x0  }
0x1d: {  	s5 =	simm.s32 @p1 $0x1;
	p0 =	seq.s32 s7, s2  }
0x1e: {  	s7 =	smul.u32 @!p0 $0xF7A, s2;
	p2 =	seq.s32 @!p0 s5, $0x0  }
0x1f: {  	s9 =	smul.u32 $0xF7A, s1;
	s8 =	simm.s32 @!p0 $0x1BF5;
	p2 =	por !p2, p0  }
0x20: {  	[sflag:s8] =	ssyncset.s32 @!p0 $0xFFFFF086;
	s6 =	sadd.s32 @!p0 s3, s7;
	s7 =	simm.s32 @!p0 $0x108  }
0x21: {  	s3 =	sadd.s32 s3, s9;
	s6 =	sadd.s32 @!p0 $0x88, s6;
	s7 =	simm.s32 @p2 $0x1082  }
0x22: {  	[simem:s7], [sflag:s8] =	dma.local @!p0 [hbm:s6], $0xF7A  }
0x23: {  	s9 =	sor.u32 $0xD0000000, s2;
	s6 =	simm.s32 $0x108;
	_ =	swait.ge @!p0 [sflag:s8], $0x0  }
0x24: {  	s3 =	sadd.s32 $0x88, s3;
	s6 =	simm.s32 @!p1 $0x1082;
	[sflag:s4] =	ssyncset.s32 $0xFFFFF086  }
0x25: {  	[simem:s6], [sflag:s4] =	dma.local [hbm:s3], $0xF7A  }
0x26: {  	[smem:$0x3F9F] =	sst s1;
	(tag) =	ssettag s2;
	_ =	strace s9  }
0x27: {  	s1 =	sld [smem:$0x3FAF]  }
0x28: {  	s2 =	sld [smem:$0x3FB0]  }
0x29: {  	s4 =	sld [smem:$0x3FB2]  }
0x2a: {  	p0 =	seq.s32 s5, $0x0;
	s5 =	sld [smem:$0x3FB3]  }
0x2b: {  	s6 =	sld [smem:$0x3FB4]  }
0x2c: {  	s7 =	sld [smem:$0x3FB5]  }
0x2d: {  	s3 =	simm.s32 $0x108;
	s8 =	sld [smem:$0x3FB6]  }
0x2e: {  	s3 =	simm.s32 @!p0 $0x1082;
	s9 =	sld [smem:$0x3FB7]  }
0x2f: {  	lr =	sadd.s32 s0, s3;
	s0 =	sld [smem:$0x3FAE]  }
0x30: {  	s3 =	sld [smem:$0x3FB1]  }
0x31: {  	[smem:$0x3FBA] =	sst s10  }
0x32: {  	s10 =	sld [smem:$0x3FB8];
	_ =	sdelay $0x3  }
0x33: {  	p0 =	seq.s32 s10, $0x1;
	s10 =	sld [smem:$0x3FBA];
	_ =	sdelay $0x3  }
0x34: {  	[smem:$0x3FBA] =	sst s10  }
0x35: {  	s10 =	sld [smem:$0x3FB9];
	_ =	sdelay $0x3  }
0x36: {  	p1 =	seq.s32 s10, $0x1;
	s10 =	sld [smem:$0x3FBA];
	_ =	sdelay $0x3  }
0x37: {  	[smem:$0x3FBA] =	sst s10  }
0x38: {  	s10 =	sld [smem:$0x3FBB]  }
0x39: {  	_ = 	snop;
	(pc) =	sbr.ind lr, $3  }
0x3a: {  	_ = 	snop  }
0x3b: {  	_ = 	snop  }
0x3c: {  	p2 =	seq.s32 s10, $0x1;
	s10 =	sld [smem:$0x3FBA]  }
0x3d: {  	_ =	shalt  }
0x3e: {  	_ =	shalt  }
0x3f: {  	_ =	shalt  }
0x40: {  	_ =	shalt  }
0x41: {  	_ =	shalt  }
0x42: {  	_ =	shalt  }
0x43: {  	_ =	shalt  }
0x44: {  	_ =	shalt  }
0x45: {  	_ =	shalt  }
0x46: {  	_ =	shalt  }
0x47: {  	_ =	shalt  }
0x48: {  	_ =	shalt  }
0x49: {  	_ =	shalt  }
0x4a: {  	_ =	shalt  }
0x4b: {  	_ =	shalt  }
0x4c: {  	_ =	shalt  }
0x4d: {  	_ =	shalt  }
0x4e: {  	_ =	shalt  }
0x4f: {  	_ =	shalt  }
0x50: {  	_ =	shalt  }
0x51: {  	_ =	shalt  }
0x52: {  	_ =	shalt  }
0x53: {  	_ =	shalt  }
0x54: {  	_ =	shalt  }
0x55: {  	_ =	shalt  }
0x56: {  	_ =	shalt  }
0x57: {  	_ =	shalt  }
0x58: {  	_ =	shalt  }
0x59: {  	_ =	shalt  }
0x5a: {  	_ =	shalt  }
0x5b: {  	_ =	shalt  }
0x5c: {  	_ =	shalt  }
0x5d: {  	_ =	shalt  }
0x5e: {  	_ =	shalt  }
0x5f: {  	_ =	shalt  }
0x60: {  	_ =	shalt  }
0x61: {  	_ =	shalt  }
0x62: {  	_ =	shalt  }
0x63: {  	_ =	shalt  }
0x64: {  	_ =	shalt  }
0x65: {  	_ =	shalt  }
0x66: {  	_ =	shalt  }
0x67: {  	_ =	shalt  }
0x68: {  	_ =	shalt  }
0x69: {  	_ =	shalt  }
0x6a: {  	_ =	shalt  }
0x6b: {  	_ =	shalt  }
0x6c: {  	_ =	shalt  }
0x6d: {  	_ =	shalt  }
0x6e: {  	_ =	shalt  }
0x6f: {  	_ =	shalt  }
0x70: {  	_ =	shalt  }
0x71: {  	_ =	shalt  }
0x72: {  	_ =	shalt  }
0x73: {  	_ =	shalt  }
0x74: {  	_ =	shalt  }
0x75: {  	_ =	shalt  }
0x76: {  	_ =	shalt  }
0x77: {  	_ =	shalt  }
0x78: {  	_ =	shalt  }
0x79: {  	_ =	shalt  }
0x7a: {  	_ =	shalt  }
0x7b: {  	_ =	shalt  }
0x7c: {  	_ =	shalt  }
0x7d: {  	_ =	shalt  }
0x7e: {  	_ =	shalt  }
0x7f: {  	_ =	shalt  }
0x80: {  	_ =	shalt  }
0x81: {  	_ =	shalt  }
0x82: {  	_ =	shalt  }
0x83: {  	_ =	shalt  }
0x84: {  	_ =	shalt  }
0x85: {  	_ =	shalt  }
0x86: {  	_ =	shalt  }
0x87: {  	_ =	shalt  }
.Lfunc_end0:
.L_simem_size_0:
called_computation_lowered:
.L_overlay_start_0:
0x88: {  	s2 =	sld [smem:$0x3FD9]  }
0x89: {  	s3 =	sld [smem:$0x3FFE];
	_ =	sdelay $0x1  }
0x8a: {  	s1 =	srdreg.scid  }
0x8b: {  	s0 =	sand.u32 $0x1, s1  }
0x8c: {  	s17 =	sshll.u32 s0, $0xA;
	s2 =	sadd.s32 s3, s2  }
0x8d: {  	s2 =	sadd.s32 s2, s17  }
0x8e: {  	[smem:$0x3FC6] =	sst s2  }
0x8f: {  	_ = 	snop  }
0x90: {  	s2 =	sld [smem:$0x3FD0];
	(tm) =	ssettm $0x1  }
0x91: {  	s18 =	sld [smem:$0x3FFB];
	_ =	sdelay $0x3  }
0x92: {  	_ =	strace s18  }
0x93: {  	s3 =	sld [smem:$0x3FFC];
	_ =	sdelay $0x3  }
0x94: {  	_ =	strace s3  }
0x95: {  	s3 =	sld [smem:$0x3FFD];
	_ =	sdelay $0x3  }
0x96: {  	_ =	strace s3  }
0x97: {  	_ =	strace $0x8FFFFFFF  }
0x98: {  	s19 =	sld [smem:$0x3FDB];
	_ =	sdelay $0x1  }
0x99: {  	s4 =	simm.s32 $_scs_section_size  }
0x9a: {  	s5 =	simm.s32 $_size__tile_overlayer_lowered;
	s6 =	simm.s32 $_tile_overlayer_lowered  }
0x9b: {  	s22 =	simm.s32 $0x1BFF;
	s21 =	sshll.u32 s6, $0x1;
	s3 =	sadd.s32 s4, s19  }
0x9c: {  	s7 =	simm.s32 $0x0;
	s20 =	sshll.u32 s5, $0x1;
	s5 =	sadd.s32 s21, s3  }
0x9d: {  	[timem:s7], [sflag:s22] =	dma.local [hbm:s5], s20  }
0x9e: {  	_ =	swait.ge [sflag:s22], s20  }
0x9f: {  	s4 =	ssub.s32 $0x0, s20;
	[sflag:s22] =	ssyncset.done $0x0  }
0xa0: {  	[sflag:s22] =	ssyncadd.s32 s4;
	_ =	sdelay $0x1  }
0xa1: {  	s23 =	simm.s32 $0x1B8B  }
0xa2: {  	_ =	swait.ge [sflag:s23], $0x1  }
0xa3: {  	[sflag:s23] =	ssyncset.done $0x0  }
0xa4: {  	s25 =	simm.s32 $0x1B8E;
	s24 =	sld [smem:$0x3FFE];
	[sflag:s23] =	ssyncadd.s32 $0xFFFFFFFF  }
0xa5: {  	s26 =	simm.s32 $execute0_lowered;
	[smem:$0x3FD2] =	sst s25  }
0xa6: {  	s5 =	sshll.u32 s26, $0x1;
	_ =	strace $0x80000046;
	[dreg:$0x1] =	wrdreg $0xFFFFFFFF  }
0xa7: {  	s28 =	simm.s32 $_size_execute0_lowered;
	s3 =	sadd.s32 s3, s5;
	[dreg:$0x0] =	wrdreg $0x0  }
0xa8: {  	s5 =	sshll.u32 s28, $0x1;
	[dreg:$0x2] =	wrdreg s3  }
0xa9: {  	[dreg:$0x3] =	wrdreg s5  }
0xaa: {  	[dreg:$0x4] =	wrdreg $0xC0  }
0xab: {  	_ =	task [dreg:s7], $0x5FFFF  }
0xac: {  	[dreg:$0x1] =	wrdreg $0xFFFFFFFF  }
0xad: {  	[dreg:$0x0] =	wrdreg $0x60  }
0xae: {  	[dreg:$0x2] =	wrdreg s24  }
0xaf: {  	[dreg:$0x3] =	wrdreg s2  }
0xb0: {  	[dreg:$0x4] =	wrdreg $0x9  }
0xb1: {  	_ =	task.clear_ibuf [dreg:s7], $0x5FFFF;
	_ =	strace $0x90000046  }
0xb2: {  	s29 =	simm.s32 $0x9;
	_ =	strace $0x80000048  }
0xb3: {  	_ =	swait.ge [sflag:s29], $0x1  }
0xb4: {  	[sflag:s29] =	ssyncadd.s32 $0xFFFFFFFF  }
0xb5: {  	_ =	strace $0x90000048  }
0xb6: {  	_ =	sfence  }
0xb7: {  	s30 =	sld [smem:$0x0];
	_ =	sdelay $0x2  }
0xb8: {  	s31 =	sshll.u32 s1, $0xD;
	s1 =	sshrl.u32 s1, $0x2  }
0xb9: {  	s3 =	sand.u32 $0x4000, s31;
	s1 =	sadd.s32 s1, s30  }
0xba: {  	s0 =	sor.u32 s3, s0;
	s1 =	sshll.u32 s1, $0x11  }
0xbb: {  	s0 =	sor.u32 s1, s0  }
0xbc: {  	s0 =	sadd.s32 $0x8F2B, s0  }
0xbd: {  	[sflag:s0] =	ssyncadd.remote.s32 $0x1  }
0xbe: {  	_ =	sfence.sel $0xFFFF  }
0xbf: {  	[dreg:$0x0] =	wrdreg $0xFFFFFFFF;
	(pc) =	sbr.abs _section_cstart, $3  }
0xc0: {  	[dreg:$0x1] =	wrdreg $0xFFFFFFFF  }
0xc1: {  	_ =	task.clear_ibuf [dreg:s7], $0x2FFFF;
	_ =	strace $0x9FFFFFFF  }
0xc2: {  	(tm) =	ssettm $0x7FFFFFFF  }
0xc3: {  	_ =	shalt  }
tec
execute0_lowered:
.L_overlay_start_1:
0x0: {  	(tag) =	ssettag $0x1  }
0x1: {  	s3 =	rddreg [dreg:$0x0]  }
0x2: {  	s5 =	rddreg [dreg:$0x1]  }
0x3: {  	s0 =	rddreg [dreg:$0x2];
	s4 =	srdreg.scid  }
0x4: {  	s1 =	stileid.u32;
	s2 =	simm.s32 $0x0;
	s9 =	simm.s32 $0x400  }
0x5: {  	s10 =	simm.s32 $0x1400;
	s11 =	simm.s32 $0x100;
	s12 =	simm.s32 $0x2400  }
0x6: {  	s13 =	simm.s32 $0x180;
	s14 =	simm.s32 $0x3400;
	s15 =	simm.s32 $0x200  }
0x7: {  	s16 =	simm.s32 $0x4400;
	s17 =	simm.s32 $0x280;
	s18 =	simm.s32 $0x5400  }
0x8: {  	s19 =	simm.s32 $0x300;
	s20 =	simm.s32 $0x6400;
	s21 =	simm.s32 $0x380  }
0x9: {  	s22 =	simm.s32 $0x7400;
	s23 =	simm.s32 $0x1;
	s24 =	simm.s32 $0x8400  }
0xa: {  	s25 =	simm.s32 $0x0;
	s4 =	sand.u32 $0x1, s4;
	s6 =	sshll.u32 s1, $0x1  }
0xb: {  	[smem:$0x7FF] =	sst s2;
	s6 =	sor.u32 s4, s6;
	s4 =	ssub.s32 $0x2, s4  }
0xc: {  	v0 =	vlaneseq.u32;
	_ =	strace $0x80000047;
	s7 =	sshll.u32 s6, $0x7;
	s8 =	sshrl.u32 s4, $0x1  }
0xd: {  	v0 =	vmul.u32 $0x40, v0;
	s6 =	sshll.u32 s6, $0x6;
	s7 =	sadd.s32 s7, s3;
	s3 =	sadd.s32 $0xF42A00, s3  }
0xe: {  	s8 =	ssub.s32 s4, s8;
	s5 =	sadd.s32 s5, s6;
	s4 =	sadd.s32 $0x600, s7  }
0xf: {  	[tilespmem:$0x1FFF0] =	vst v0;
	s6 =	smax.u32 s8, $0x1;
	s7 =	simm.s32 $0x2;
	s8 =	simm.s32 $0x80  }
.LBB2_1:
0x10: {  	[tilespmem:s2], [sflag:$0x2] =	stream.linear.gather [hbm4b:s4+s2], $0x400, $0x38;
	[tilespmem:$0x8600] =	vst v63  }
0x11: {  	_ =	swait.ge [sflag:s7], $0x400  }
0x12: {  	[sflag:s7] =	ssyncset.done $0x0  }
0x13: {  	[sflag:s7] =	ssyncadd.s32 $0xFFFFFC00  }
0x14: {  	[tilespmem:s9], [sflag:$0x1] =	stream.indirect.gather [hbm4b:s3+s8], $0x20, s2, s8, $0xb8;
	[tilespmem:$0x8600] =	vst v63  }
0x15: {  	_ = 	snop  }
0x16: {  	[tilespmem:s10], [sflag:$0x1] =	stream.indirect.gather [hbm4b:s3+s8], $0x20, s8, s8, $0xb8;
	[tilespmem:$0x8600] =	vst v63  }
0x17: {  	_ = 	snop  }
0x18: {  	[tilespmem:s12], [sflag:$0x1] =	stream.indirect.gather [hbm4b:s3+s8], $0x20, s11, s8, $0xb8;
	[tilespmem:$0x8600] =	vst v63  }
0x19: {  	_ = 	snop  }
0x1a: {  	[tilespmem:s14], [sflag:$0x1] =	stream.indirect.gather [hbm4b:s3+s8], $0x20, s13, s8, $0xb8;
	[tilespmem:$0x8600] =	vst v63  }
0x1b: {  	_ = 	snop  }
0x1c: {  	[tilespmem:s16], [sflag:$0x1] =	stream.indirect.gather [hbm4b:s3+s8], $0x20, s15, s8, $0xb8;
	[tilespmem:$0x8600] =	vst v63  }
0x1d: {  	_ = 	snop  }
0x1e: {  	[tilespmem:s18], [sflag:$0x1] =	stream.indirect.gather [hbm4b:s3+s8], $0x20, s17, s8, $0xb8;
	[tilespmem:$0x8600] =	vst v63  }
0x1f: {  	_ = 	snop  }
0x20: {  	[tilespmem:s20], [sflag:$0x1] =	stream.indirect.gather [hbm4b:s3+s8], $0x20, s19, s8, $0xb8;
	[tilespmem:$0x8600] =	vst v63  }
0x21: {  	_ = 	snop  }
0x22: {  	[tilespmem:s22], [sflag:$0x1] =	stream.indirect.gather [hbm4b:s3+s8], $0x20, s21, s8, $0xb8;
	[tilespmem:$0x8600] =	vst v63  }
0x23: {  	_ =	swait.ge [sflag:s23], $0x1000  }
0x24: {  	[sflag:s23] =	ssyncset.done $0x0  }
0x25: {  	[sflag:s23] =	ssyncadd.s32 $0xFFFFF000  }
0x26: {  	_ =	swait.ge [sflag:s23], $0x1000  }
0x27: {  	[sflag:s23] =	ssyncset.done $0x0  }
0x28: {  	[sflag:s23] =	ssyncadd.s32 $0xFFFFF000  }
0x29: {  	_ =	swait.ge [sflag:s23], $0x1000  }
0x2a: {  	[sflag:s23] =	ssyncset.done $0x0  }
0x2b: {  	[sflag:s23] =	ssyncadd.s32 $0xFFFFF000  }
0x2c: {  	_ =	swait.ge [sflag:s23], $0x1000  }
0x2d: {  	[sflag:s23] =	ssyncset.done $0x0  }
0x2e: {  	[sflag:s23] =	ssyncadd.s32 $0xFFFFF000  }
0x2f: {  	_ =	swait.ge [sflag:s23], $0x1000  }
0x30: {  	[sflag:s23] =	ssyncset.done $0x0  }
0x31: {  	[sflag:s23] =	ssyncadd.s32 $0xFFFFF000  }
0x32: {  	_ =	swait.ge [sflag:s23], $0x1000  }
0x33: {  	v1 =	vmov s2;
	[sflag:s23] =	ssyncset.done $0x0  }
0x34: {  	v1 =	vshll.u32 v1, $0x6;
	[sflag:s23] =	ssyncadd.s32 $0xFFFFF000  }
0x35: {  	v8 =	vor.u32 v0, v1;
	_ =	swait.ge [sflag:s23], $0x1000  }
0x36: {  	v1 =	vor.u32 $0x1, v8;
	[sflag:s23] =	ssyncset.done $0x0  }
0x37: {  	v2 =	vor.u32 $0x21, v8;
	[sflag:s23] =	ssyncadd.s32 $0xFFFFF000  }
0x38: {  	_ =	swait.ge [sflag:s23], $0x1000  }
0x39: {  	v3 =	vor.u32 $0x20, v8;
	[sflag:s23] =	ssyncset.done $0x0  }
0x3a: {  	v5 =	vor.u32 $0x2, v8;
	[sflag:s23] =	ssyncadd.s32 $0xFFFFF000  }
0x3b: {  	v4 =	vld.idx.msk [tilespmem:v1+s9+$0x0], $0xffff;
	v1 =	vor.u32 $0x22, v8  }
0x3c: {  	v9 =	vld.idx.msk [tilespmem:v2+s9+$0x0], $0xffff;
	v2 =	vor.u32 $0x3, v8  }
0x3d: {  	v6 =	vor.u32 $0x23, v8;
	v15 =	vld.idx.msk [tilespmem:v8+s9+$0x0], $0xffff  }
0x3e: {  	v7 =	vor.u32 $0x4, v8;
	v16 =	vld.idx.msk [tilespmem:v3+s9+$0x0], $0xffff  }
0x3f: {  	v11 =	vor.u32 $0x24, v8;
	v5 =	vld.idx.msk [tilespmem:v5+s9+$0x0], $0xffff  }
0x40: {  	v12 =	vor.u32 $0x5, v8;
	v10 =	vld.idx.msk [tilespmem:v1+s9+$0x0], $0xffff  }
0x41: {  	v13 =	vor.u32 $0x25, v8;
	v1 =	vld.idx.msk [tilespmem:v2+s9+$0x0], $0xffff  }
0x42: {  	v14 =	vor.u32 $0x6, v8;
	v3 =	vld.idx.msk [tilespmem:v6+s9+$0x0], $0xffff;
	v17 =	vmul.f32 v15, v15;
	v18 =	vmul.f32 v4, v4  }
0x43: {  	v19 =	vor.u32 $0x26, v8;
	v2 =	vld.idx.msk [tilespmem:v7+s9+$0x0], $0xffff;
	v20 =	vmul.f32 v16, v16;
	v21 =	vmul.f32 v9, v9  }
0x44: {  	v22 =	vor.u32 $0x7, v8;
	v6 =	vld.idx.msk [tilespmem:v11+s9+$0x0], $0xffff;
	v31 =	vmul.f32 v5, v5;
	v17 =	vadd.f32 v18, v17  }
0x45: {  	v23 =	vor.u32 $0x27, v8;
	v7 =	vld.idx.msk [tilespmem:v12+s9+$0x0], $0xffff;
	v20 =	vadd.f32 v21, v20;
	v32 =	vmul.f32 v10, v10  }
0x46: {  	v24 =	vor.u32 $0x8, v8;
	v11 =	vld.idx.msk [tilespmem:v13+s9+$0x0], $0xffff;
	v17 =	vadd.f32 v31, v17;
	v33 =	vmul.f32 v1, v1  }
0x47: {  	v25 =	vor.u32 $0x28, v8;
	v12 =	vld.idx.msk [tilespmem:v14+s9+$0x0], $0xffff;
	v34 =	vmul.f32 v3, v3;
	v20 =	vadd.f32 v32, v20  }
0x48: {  	v26 =	vor.u32 $0x9, v8;
	v13 =	vld.idx.msk [tilespmem:v19+s9+$0x0], $0xffff;
	v35 =	vmul.f32 v2, v2;
	v18 =	vadd.f32 v33, v17  }
0x49: {  	v36 =	vor.u32 $0x29, v8;
	v14 =	vld.idx.msk [tilespmem:v22+s9+$0x0], $0xffff;
	v37 =	vmul.f32 v6, v6;
	v20 =	vadd.f32 v34, v20  }
0x4a: {  	v38 =	vor.u32 $0xA, v8;
	v28 =	vmul.f32 v7, v7;
	v17 =	vld.idx.msk [tilespmem:v23+s9+$0x0], $0xffff;
	v27 =	vadd.f32 v35, v18  }
0x4b: {  	v39 =	vor.u32 $0x2A, v8;
	v29 =	vmul.f32 v11, v11;
	v18 =	vld.idx.msk [tilespmem:v24+s9+$0x0], $0xffff;
	v21 =	vadd.f32 v37, v20  }
0x4c: {  	v40 =	vor.u32 $0xB, v8;
	v19 =	vld.idx.msk [tilespmem:v25+s9+$0x0], $0xffff;
	v41 =	vmul.f32 v12, v12;
	v27 =	vadd.f32 v28, v27  }
0x4d: {  	v42 =	vor.u32 $0x2B, v8;
	v30 =	vmul.f32 v13, v13;
	v20 =	vld.idx.msk [tilespmem:v26+s9+$0x0], $0xffff;
	v29 =	vadd.f32 v29, v21  }
0x4e: {  	v31 =	vor.u32 $0xC, v8;
	v43 =	vmul.f32 v14, v14;
	v21 =	vld.idx.msk [tilespmem:v36+s9+$0x0], $0xffff;
	v27 =	vadd.f32 v41, v27  }
0x4f: {  	v22 =	vld.idx.msk [tilespmem:v38+s9+$0x0], $0xffff;
	v32 =	vor.u32 $0x2C, v8;
	v44 =	vmul.f32 v17, v17;
	v29 =	vadd.f32 v30, v29  }
0x50: {  	v23 =	vld.idx.msk [tilespmem:v39+s9+$0x0], $0xffff;
	v33 =	vor.u32 $0xD, v8;
	v45 =	vmul.f32 v18, v18;
	v27 =	vadd.f32 v43, v27  }
0x51: {  	v46 =	vmul.f32 v19, v19;
	v24 =	vld.idx.msk [tilespmem:v40+s9+$0x0], $0xffff;
	v34 =	vor.u32 $0x2D, v8;
	v29 =	vadd.f32 v44, v29  }
0x52: {  	v25 =	vld.idx.msk [tilespmem:v42+s9+$0x0], $0xffff;
	v35 =	vor.u32 $0xE, v8;
	v36 =	vmul.f32 v20, v20;
	v28 =	vadd.f32 v45, v27  }
0x53: {  	v47 =	vor.u32 $0x2E, v8;
	v26 =	vld.idx.msk [tilespmem:v31+s9+$0x0], $0xffff;
	v48 =	vmul.f32 v21, v21;
	v29 =	vadd.f32 v46, v29  }
0x54: {  	v49 =	vor.u32 $0xF, v8;
	v37 =	vmul.f32 v22, v22;
	v27 =	vld.idx.msk [tilespmem:v32+s9+$0x0], $0xffff;
	v36 =	vadd.f32 v36, v28  }
0x55: {  	v50 =	vor.u32 $0x2F, v8;
	v39 =	vmul.f32 v23, v23;
	v28 =	vld.idx.msk [tilespmem:v33+s9+$0x0], $0xffff;
	v38 =	vadd.f32 v48, v29  }
0x56: {  	v51 =	vor.u32 $0x10, v8;
	v52 =	vmul.f32 v24, v24;
	v29 =	vld.idx.msk [tilespmem:v34+s9+$0x0], $0xffff;
	v36 =	vadd.f32 v37, v36  }
0x57: {  	v53 =	vor.u32 $0x30, v8;
	v54 =	vmul.f32 v25, v25;
	v30 =	vld.idx.msk [tilespmem:v35+s9+$0x0], $0xffff;
	v38 =	vadd.f32 v39, v38  }
0x58: {  	v40 =	vor.u32 $0x11, v8;
	v31 =	vld.idx.msk [tilespmem:v47+s9+$0x0], $0xffff;
	v55 =	vmul.f32 v26, v26;
	v36 =	vadd.f32 v52, v36  }
0x59: {  	v41 =	vor.u32 $0x31, v8;
	v32 =	vld.idx.msk [tilespmem:v49+s9+$0x0], $0xffff;
	v56 =	vmul.f32 v27, v27;
	v38 =	vadd.f32 v54, v38  }
0x5a: {  	v42 =	vor.u32 $0x12, v8;
	v33 =	vld.idx.msk [tilespmem:v50+s9+$0x0], $0xffff;
	v57 =	vmul.f32 v28, v28;
	v36 =	vadd.f32 v55, v36  }
0x5b: {  	v43 =	vor.u32 $0x32, v8;
	v34 =	vld.idx.msk [tilespmem:v51+s9+$0x0], $0xffff;
	v58 =	vmul.f32 v29, v29;
	v38 =	vadd.f32 v56, v38  }
0x5c: {  	v35 =	vld.idx.msk [tilespmem:v53+s9+$0x0], $0xffff;
	v44 =	vor.u32 $0x13, v8;
	v46 =	vmul.f32 v30, v30;
	v45 =	vadd.f32 v57, v36  }
0x5d: {  	v47 =	vor.u32 $0x33, v8;
	v59 =	vmul.f32 v31, v31;
	v36 =	vld.idx.msk [tilespmem:v40+s9+$0x0], $0xffff;
	v39 =	vadd.f32 v58, v38  }
0x5e: {  	v37 =	vld.idx.msk [tilespmem:v41+s9+$0x0], $0xffff;
	v48 =	vor.u32 $0x14, v8;
	v61 =	vmul.f32 v32, v32;
	v60 =	vadd.f32 v46, v45  }
0x5f: {  	v62 =	vor.u32 $0x34, v8;
	v49 =	vmul.f32 v33, v33;
	v38 =	vld.idx.msk [tilespmem:v42+s9+$0x0], $0xffff;
	v63 =	vadd.f32 v59, v39  }
0x60: {  	v50 =	vor.u32 $0x15, v8;
	v55 =	vmul.f32 v34, v34;
	v39 =	vld.idx.msk [tilespmem:v43+s9+$0x0], $0xffff;
	v54 =	vadd.f32 v61, v60  }
0x61: {  	v51 =	vor.u32 $0x35, v8;
	v40 =	vld.idx.msk [tilespmem:v44+s9+$0x0], $0xffff;
	v57 =	vmul.f32 v35, v35;
	v56 =	vadd.f32 v49, v63  }
0x62: {  	v41 =	vld.idx.msk [tilespmem:v47+s9+$0x0], $0xffff;
	v58 =	vor.u32 $0x16, v8;
	v52 =	vmul.f32 v36, v36;
	v45 =	vadd.f32 v55, v54  }
0x63: {  	v53 =	vmul.f32 v37, v37;
	v42 =	vld.idx.msk [tilespmem:v48+s9+$0x0], $0xffff;
	v48 =	vor.u32 $0x36, v8;
	v49 =	vadd.f32 v57, v56  }
0x64: {  	v43 =	vld.idx.msk [tilespmem:v62+s9+$0x0], $0xffff;
	v54 =	vor.u32 $0x17, v8;
	v60 =	vmul.f32 v38, v38;
	v59 =	vadd.f32 v52, v45  }
0x65: {  	v44 =	vld.idx.msk [tilespmem:v50+s9+$0x0], $0xffff;
	v50 =	vor.u32 $0x37, v8;
	v61 =	vmul.f32 v39, v39;
	v49 =	vadd.f32 v53, v49  }
0x66: {  	v62 =	vor.u32 $0x18, v8;
	v55 =	vmul.f32 v40, v40;
	v45 =	vld.idx.msk [tilespmem:v51+s9+$0x0], $0xffff;
	v52 =	vadd.f32 v60, v59  }
0x67: {  	v63 =	vmul.f32 v41, v41;
	v46 =	vld.idx.msk [tilespmem:v58+s9+$0x0], $0xffff;
	v56 =	vor.u32 $0x38, v8;
	v49 =	vadd.f32 v61, v49  }
0x68: {  	v47 =	vld.idx.msk [tilespmem:v48+s9+$0x0], $0xffff;
	v57 =	vor.u32 $0x19, v8;
	v60 =	vmul.f32 v42, v42;
	v52 =	vadd.f32 v55, v52  }
0x69: {  	v58 =	vmul.f32 v43, v43;
	v48 =	vld.idx.msk [tilespmem:v54+s9+$0x0], $0xffff;
	v54 =	vor.u32 $0x39, v8;
	v53 =	vadd.f32 v63, v49  }
0x6a: {  	v59 =	vor.u32 $0x1A, v8;
	v55 =	vmul.f32 v44, v44;
	v49 =	vld.idx.msk [tilespmem:v50+s9+$0x0], $0xffff;
	v52 =	vadd.f32 v60, v52  }
0x6b: {  	v50 =	vld.idx.msk [tilespmem:v62+s9+$0x0], $0xffff;
	v60 =	vor.u32 $0x3A, v8;
	v53 =	vadd.f32 v58, v53;
	v58 =	vmul.f32 v45, v45  }
0x6c: {  	v51 =	vld.idx.msk [tilespmem:v56+s9+$0x0], $0xffff;
	v56 =	vor.u32 $0x1B, v8;
	v52 =	vadd.f32 v55, v52;
	v55 =	vmul.f32 v46, v46  }
0x6d: {  	v61 =	vor.u32 $0x1C, v8;
	v57 =	vld.idx.msk [tilespmem:v57+s9+$0x0], $0xffff;
	v53 =	vadd.f32 v58, v53;
	v58 =	vmul.f32 v47, v47  }
0x6e: {  	v62 =	vor.u32 $0x3B, v8;
	v54 =	vld.idx.msk [tilespmem:v54+s9+$0x0], $0xffff;
	v52 =	vadd.f32 v55, v52;
	v55 =	vmul.f32 v48, v48  }
0x6f: {  	v63 =	vor.u32 $0x3C, v8;
	v59 =	vld.idx.msk [tilespmem:v59+s9+$0x0], $0xffff;
	v53 =	vadd.f32 v58, v53;
	v58 =	vmul.f32 v49, v49  }
0x70: {  	[tilespmem:$0x1FF60] =	vst v5;
	v5 =	vor.u32 $0x1D, v8;
	v60 =	vld.idx.msk [tilespmem:v60+s9+$0x0], $0xffff;
	v52 =	vadd.f32 v55, v52;
	v55 =	vmul.f32 v50, v50  }
0x71: {  	[tilespmem:$0x1FF70] =	vst v1;
	v56 =	vld.idx.msk [tilespmem:v56+s9+$0x0], $0xffff;
	v1 =	vmul.f32 v51, v51;
	v53 =	vadd.f32 v58, v53;
	v58 =	vor.u32 $0x3D, v8  }
0x72: {  	[tilespmem:$0x1FF90] =	vst v2;
	v2 =	vmul.f32 v57, v57;
	v52 =	vadd.f32 v55, v52;
	v55 =	vld.idx.msk [tilespmem:v61+s9+$0x0], $0xffff;
	v61 =	vor.u32 $0x1E, v8  }
0x73: {  	[tilespmem:$0x1FF80] =	vst v3;
	v3 =	vadd.f32 v1, v53;
	v53 =	vld.idx.msk [tilespmem:v62+s9+$0x0], $0xffff;
	v62 =	vor.u32 $0x3E, v8;
	v1 =	vmul.f32 v54, v54  }
0x74: {  	[tilespmem:$0x1FF50] =	vst v4;
	v4 =	vadd.f32 v2, v52;
	v52 =	vld.idx.msk [tilespmem:v63+s9+$0x0], $0xffff;
	v63 =	vor.u32 $0x1F, v8;
	v2 =	vmul.f32 v59, v59  }
0x75: {  	v1 =	vadd.f32 v1, v3;
	v3 =	vld.idx.msk [tilespmem:v5+s9+$0x0], $0xffff;
	v5 =	vor.u32 $0x3F, v8;
	v8 =	vmul.f32 v60, v60  }
0x76: {  	v2 =	vadd.f32 v2, v4;
	v4 =	vld.idx.msk [tilespmem:v58+s9+$0x0], $0xffff;
	v58 =	vmul.f32 v56, v56  }
0x77: {  	v1 =	vadd.f32 v8, v1;
	v8 =	vld.idx.msk [tilespmem:v61+s9+$0x0], $0xffff  }
0x78: {  	v15 =	vmul.f32 v16, v15;
	v61 =	vmul.f32 v55, v55;
	v2 =	vadd.f32 v58, v2;
	v16 =	vld.idx.msk [tilespmem:v62+s9+$0x0], $0xffff  }
0x79: {  	v62 =	vld [tilespmem:$0x1FF50]  }
0x7a: {  	v2 =	vadd.f32 v61, v2;
	v61 =	vld [tilespmem:$0x1FF60];
	_ =	sdelay $0x3  }
0x7b: {  	v9 =	vmul.f32 v9, v62;
	v62 =	vld.idx.msk [tilespmem:v63+s9+$0x0], $0xffff;
	v63 =	vmul.f32 v3, v3  }
0x7c: {  	v10 =	vmul.f32 v10, v61;
	v61 =	vld [tilespmem:$0x1FF70]  }
0x7d: {  	v2 =	vadd.f32 v63, v2;
	v63 =	vld [tilespmem:$0x1FF80]  }
0x7e: {  	v15 =	vadd.f32 $0.0e+00, v15;
	_ =	sdelay $0x1  }
0x7f: {  	v9 =	vadd.f32 v9, v15  }
0x80: {  	v58 =	vmul.f32 v53, v53  }
0x81: {  	v9 =	vadd.f32 v10, v9;
	v61 =	vmul.f32 v63, v61  }
0x82: {  	v1 =	vadd.f32 v58, v1;
	v5 =	vld.idx.msk [tilespmem:v5+s9+$0x0], $0xffff;
	v58 =	vmul.f32 v52, v52  }
0x83: {  	v9 =	vadd.f32 v61, v9;
	v61 =	vld [tilespmem:$0x1FF90]  }
0x84: {  	v1 =	vadd.f32 v58, v1;
	v58 =	vmul.f32 v4, v4  }
0x85: {  	v15 =	vmul.f32 v8, v8  }
0x86: {  	v1 =	vadd.f32 v58, v1;
	v10 =	vmul.f32 v16, v16  }
0x87: {  	v2 =	vadd.f32 v15, v2;
	v15 =	vmul.f32 v62, v62  }
0x88: {  	v58 =	vmul.f32 v5, v5;
	v1 =	vadd.f32 v10, v1;
	v6 =	vmul.f32 v6, v61  }
0x89: {  	v2 =	vadd.f32 v15, v2  }
0x8a: {  	v7 =	vmul.f32 v11, v7;
	v1 =	vadd.f32 v58, v1;
	v6 =	vadd.f32 v6, v9  }
0x8b: {  	v2 =	vadd.f32 $1.000000000e+00, v2  }
0x8c: {  	v1 =	vadd.f32 $1.000000000e+00, v1;
	v6 =	vadd.f32 v7, v6;
	v7 =	vmul.f32 v13, v12;
	_ =	sdelay $0x1  }
0x8d: {  	v1 =	vmul.f32 v1, v2;
	v6 =	vadd.f32 v7, v6;
	v7 =	vmul.f32 v17, v14;
	_ =	sdelay $0x1  }
0x8e: {  	v2 =	vadd.f32 v7, v6;
	v6 =	vmul.f32 v19, v18;
	v7 =	vshra.s32 v1, $0x1  }
0x8f: {  	v7 =	vadd.s32 $0x1FBD1DF6, v7  }
0x90: {  	v2 =	vadd.f32 v6, v2;
	v6 =	vmul.f32 v21, v20;
	(erf) = vrcp.f32 v7;
	_ =	sdelay $0x1  }
0x91: {  	v2 =	vadd.f32 v6, v2;
	v6 =	vmul.f32 v23, v22;
	_ =	sdelay $0x1  }
0x92: {  	v2 =	vadd.f32 v6, v2;
	v6 =	vmul.f32 v25, v24;
	_ =	sdelay $0x1  }
0x93: {  	v2 =	vadd.f32 v6, v2;
	v6 =	vmul.f32 v27, v26;
	_ =	sdelay $0x1  }
0x94: {  	v2 =	vadd.f32 v6, v2;
	v6 =	vmul.f32 v29, v28  }
0x95: {  	v29 =	vpop (erf)  }
0x96: {  	v2 =	vadd.f32 v6, v2;
	v6 =	vmul.f32 v31, v30;
	v9 =	vmul.f32 v29, v1;
	_ =	sdelay $0x1  }
0x97: {  	v2 =	vadd.f32 v6, v2;
	v6 =	vmul.f32 v33, v32;
	v7 =	vadd.f32 v7, v9;
	_ =	sdelay $0x1  }
0x98: {  	v2 =	vadd.f32 v6, v2;
	v6 =	vmul.f32 v35, v34;
	v7 =	vmul.f32 $5.000000000e-01, v7;
	_ =	sdelay $0x1  }
0x99: {  	v2 =	vadd.f32 v6, v2;
	v6 =	vmul.f32 v37, v36;
	(erf) = vrcp.f32 v7;
	_ =	sdelay $0x1  }
0x9a: {  	v2 =	vadd.f32 v6, v2;
	v6 =	vmul.f32 v39, v38;
	_ =	sdelay $0x1  }
0x9b: {  	v2 =	vadd.f32 v6, v2;
	v6 =	vmul.f32 v41, v40;
	_ =	sdelay $0x1  }
0x9c: {  	v2 =	vadd.f32 v6, v2;
	v6 =	vmul.f32 v43, v42;
	_ =	sdelay $0x1  }
0x9d: {  	v2 =	vadd.f32 v6, v2;
	v6 =	vmul.f32 v45, v44  }
0x9e: {  	v43 =	vpop (erf)  }
0x9f: {  	v2 =	vadd.f32 v6, v2;
	v6 =	vmul.f32 v47, v46;
	v9 =	vmul.f32 v43, v1;
	_ =	sdelay $0x1  }
0xa0: {  	v2 =	vadd.f32 v6, v2;
	v6 =	vmul.f32 v49, v48;
	v7 =	vadd.f32 v9, v7;
	_ =	sdelay $0x1  }
0xa1: {  	v2 =	vadd.f32 v6, v2;
	v6 =	vmul.f32 v51, v50;
	v7 =	vmul.f32 $5.000000000e-01, v7;
	_ =	sdelay $0x1  }
0xa2: {  	v2 =	vadd.f32 v6, v2;
	v6 =	vmul.f32 v54, v57;
	(erf) = vrcp.f32 v7;
	_ =	sdelay $0x1  }
0xa3: {  	v2 =	vadd.f32 v6, v2;
	v6 =	vmul.f32 v60, v59;
	_ =	sdelay $0x1  }
0xa4: {  	v2 =	vadd.f32 v6, v2;
	v6 =	vmul.f32 v53, v56;
	_ =	sdelay $0x1  }
0xa5: {  	v2 =	vadd.f32 v6, v2;
	v6 =	vmul.f32 v52, v55;
	_ =	sdelay $0x1  }
0xa6: {  	v3 =	vmul.f32 v4, v3;
	v2 =	vadd.f32 v6, v2  }
0xa7: {  	v4 =	vpop (erf)  }
0xa8: {  	v2 =	vadd.f32 v3, v2;
	v3 =	vmul.f32 v16, v8;
	v1 =	vmul.f32 v4, v1;
	_ =	sdelay $0x1  }
0xa9: {  	v2 =	vadd.f32 v3, v2;
	v3 =	vmul.f32 v5, v62;
	v1 =	vadd.f32 v1, v7;
	_ =	sdelay $0x1  }
0xaa: {  	s26 =	simm.s32 $0x10;
	v2 =	vadd.f32 v3, v2;
	v1 =	vmul.f32 $5.000000000e-01, v1  }
0xab: {  	v3 =	vmov s26  }
0xac: {  	v3 =	vshll.u32 v3, $0x6;
	v1 =	vadd.f32 v1, v1;
	v2 =	vadd.f32 v2, v2  }
0xad: {  	v7 =	vor.u32 v0, v3  }
0xae: {  	v1 =	vsub.f32 v1, v2;
	v2 =	vor.u32 $0x1, v7  }
0xaf: {  	v3 =	vor.u32 $0x21, v7  }
0xb0: {  	v1 =	vadd.f32 $-1.999989990e+00, v1  }
0xb1: {  	v4 =	vor.u32 $0x20, v7  }
0xb2: {  	v44 =	vor.u32 $0x23, v7;
	[tilespmem:s24+$0x0] =	vst v1  }
0xb3: {  	v1 =	vor.u32 $0x2, v7;
	v5 =	vld.idx.msk [tilespmem:v2+s9+$0x0], $0xffff  }
0xb4: {  	v2 =	vor.u32 $0x22, v7;
	v10 =	vld.idx.msk [tilespmem:v3+s9+$0x0], $0xffff  }
0xb5: {  	v6 =	vor.u32 $0x3, v7;
	v15 =	vld.idx.msk [tilespmem:v7+s9+$0x0], $0xffff  }
0xb6: {  	v46 =	vor.u32 $0x24, v7;
	v17 =	vld.idx.msk [tilespmem:v4+s9+$0x0], $0xffff  }
0xb7: {  	v45 =	vor.u32 $0x4, v7;
	v4 =	vld.idx.msk [tilespmem:v44+s9+$0x0], $0xffff  }
0xb8: {  	v48 =	vor.u32 $0x25, v7;
	v3 =	vld.idx.msk [tilespmem:v1+s9+$0x0], $0xffff  }
0xb9: {  	v47 =	vor.u32 $0x5, v7;
	v8 =	vld.idx.msk [tilespmem:v2+s9+$0x0], $0xffff  }
0xba: {  	v49 =	vor.u32 $0x6, v7;
	v1 =	vld.idx.msk [tilespmem:v6+s9+$0x0], $0xffff  }
0xbb: {  	v51 =	vor.u32 $0x26, v7;
	v9 =	vld.idx.msk [tilespmem:v46+s9+$0x0], $0xffff;
	v6 =	vmul.f32 v15, v15;
	v50 =	vmul.f32 v5, v5  }
0xbc: {  	v54 =	vor.u32 $0x7, v7;
	v2 =	vld.idx.msk [tilespmem:v45+s9+$0x0], $0xffff;
	v52 =	vmul.f32 v17, v17;
	v53 =	vmul.f32 v10, v10  }
0xbd: {  	v57 =	vor.u32 $0x27, v7;
	v11 =	vld.idx.msk [tilespmem:v48+s9+$0x0], $0xffff;
	v55 =	vadd.f32 v50, v6;
	v56 =	vmul.f32 v3, v3  }
0xbe: {  	v63 =	vor.u32 $0x28, v7;
	v6 =	vld.idx.msk [tilespmem:v47+s9+$0x0], $0xffff;
	v58 =	vadd.f32 v53, v52;
	v59 =	vmul.f32 v8, v8  }
0xbf: {  	v60 =	vor.u32 $0x8, v7;
	v12 =	vld.idx.msk [tilespmem:v49+s9+$0x0], $0xffff;
	v62 =	vmul.f32 v1, v1;
	v61 =	vadd.f32 v56, v55  }
0xc0: {  	v34 =	vor.u32 $0x29, v7;
	v13 =	vld.idx.msk [tilespmem:v51+s9+$0x0], $0xffff;
	v31 =	vmul.f32 v4, v4;
	v30 =	vadd.f32 v59, v58  }
0xc1: {  	v32 =	vor.u32 $0x9, v7;
	v14 =	vld.idx.msk [tilespmem:v54+s9+$0x0], $0xffff;
	v33 =	vmul.f32 v2, v2;
	v18 =	vadd.f32 v62, v61  }
0xc2: {  	v36 =	vor.u32 $0xA, v7;
	v16 =	vld.idx.msk [tilespmem:v57+s9+$0x0], $0xffff;
	v35 =	vmul.f32 v9, v9;
	v20 =	vadd.f32 v31, v30  }
0xc3: {  	v39 =	vor.u32 $0x2A, v7;
	v19 =	vld.idx.msk [tilespmem:v63+s9+$0x0], $0xffff;
	v38 =	vmul.f32 v6, v6;
	v37 =	vadd.f32 v33, v18  }
0xc4: {  	v41 =	vor.u32 $0xB, v7;
	v40 =	vmul.f32 v11, v11;
	v18 =	vld.idx.msk [tilespmem:v60+s9+$0x0], $0xffff;
	v26 =	vadd.f32 v35, v20  }
0xc5: {  	v43 =	vor.u32 $0x2B, v7;
	v21 =	vld.idx.msk [tilespmem:v34+s9+$0x0], $0xffff;
	v42 =	vmul.f32 v12, v12;
	v27 =	vadd.f32 v38, v37  }
0xc6: {  	v63 =	vor.u32 $0x10, v7;
	v44 =	vmul.f32 v13, v13;
	v20 =	vld.idx.msk [tilespmem:v32+s9+$0x0], $0xffff;
	v26 =	vadd.f32 v40, v26  }
0xc7: {  	v22 =	vld.idx.msk [tilespmem:v36+s9+$0x0], $0xffff;
	v45 =	vor.u32 $0xC, v7;
	v46 =	vmul.f32 v14, v14;
	v27 =	vadd.f32 v42, v27  }
0xc8: {  	v23 =	vld.idx.msk [tilespmem:v39+s9+$0x0], $0xffff;
	v48 =	vmul.f32 v16, v16;
	v47 =	vor.u32 $0x2C, v7;
	v26 =	vadd.f32 v44, v26  }
0xc9: {  	v49 =	vor.u32 $0xD, v7;
	v24 =	vld.idx.msk [tilespmem:v41+s9+$0x0], $0xffff;
	v50 =	vmul.f32 v18, v18;
	v27 =	vadd.f32 v46, v27  }
0xca: {  	v51 =	vor.u32 $0x2D, v7;
	v25 =	vld.idx.msk [tilespmem:v43+s9+$0x0], $0xffff;
	v52 =	vmul.f32 v19, v19;
	v29 =	vadd.f32 v48, v26  }
0xcb: {  	v34 =	vld.idx.msk [tilespmem:v63+s9+$0x0], $0xffff;
	v53 =	vor.u32 $0xE, v7;
	v54 =	vmul.f32 v20, v20;
	v28 =	vadd.f32 v50, v27  }
0xcc: {  	v55 =	vor.u32 $0x2E, v7;
	v56 =	vmul.f32 v21, v21;
	v26 =	vld.idx.msk [tilespmem:v45+s9+$0x0], $0xffff;
	v29 =	vadd.f32 v52, v29  }
0xcd: {  	v57 =	vor.u32 $0xF, v7;
	v59 =	vmul.f32 v22, v22;
	v27 =	vld.idx.msk [tilespmem:v47+s9+$0x0], $0xffff;
	v58 =	vadd.f32 v54, v28  }
0xce: {  	v62 =	vmul.f32 v23, v23;
	v60 =	vor.u32 $0x2F, v7;
	v28 =	vld.idx.msk [tilespmem:v49+s9+$0x0], $0xffff;
	v61 =	vadd.f32 v56, v29  }
0xcf: {  	v63 =	vor.u32 $0x13, v7;
	v46 =	vmul.f32 v24, v24;
	v29 =	vld.idx.msk [tilespmem:v51+s9+$0x0], $0xffff;
	v45 =	vadd.f32 v59, v58  }
0xd0: {  	v30 =	vld.idx.msk [tilespmem:v53+s9+$0x0], $0xffff;
	v48 =	vmul.f32 v25, v25;
	v47 =	vor.u32 $0x30, v7;
	v39 =	vadd.f32 v62, v61  }
0xd1: {  	v31 =	vld.idx.msk [tilespmem:v55+s9+$0x0], $0xffff;
	v49 =	vor.u32 $0x11, v7;
	v50 =	vmul.f32 v26, v26;
	v36 =	vadd.f32 v46, v45  }
0xd2: {  	v32 =	vld.idx.msk [tilespmem:v57+s9+$0x0], $0xffff;
	v51 =	vor.u32 $0x31, v7;
	v55 =	vmul.f32 v27, v27;
	v39 =	vadd.f32 v48, v39  }
0xd3: {  	v33 =	vld.idx.msk [tilespmem:v60+s9+$0x0], $0xffff;
	v56 =	vor.u32 $0x12, v7;
	v57 =	vmul.f32 v28, v28;
	v36 =	vadd.f32 v50, v36  }
0xd4: {  	v40 =	vld.idx.msk [tilespmem:v63+s9+$0x0], $0xffff;
	v58 =	vor.u32 $0x32, v7;
	v62 =	vmul.f32 v29, v29;
	v39 =	vadd.f32 v55, v39  }
0xd5: {  	v60 =	vor.u32 $0x34, v7;
	v52 =	vmul.f32 v30, v30;
	v35 =	vld.idx.msk [tilespmem:v47+s9+$0x0], $0xffff;
	v42 =	vadd.f32 v57, v36  }
0xd6: {  	v53 =	vor.u32 $0x33, v7;
	v54 =	vmul.f32 v31, v31;
	v36 =	vld.idx.msk [tilespmem:v49+s9+$0x0], $0xffff;
	v39 =	vadd.f32 v62, v39  }
0xd7: {  	v59 =	vmul.f32 v32, v32;
	v37 =	vld.idx.msk [tilespmem:v51+s9+$0x0], $0xffff;
	v55 =	vor.u32 $0x14, v7;
	v42 =	vadd.f32 v52, v42  }
0xd8: {  	v61 =	vmul.f32 v33, v33;
	v38 =	vld.idx.msk [tilespmem:v56+s9+$0x0], $0xffff;
	v49 =	vor.u32 $0x15, v7;
	v41 =	vadd.f32 v54, v39  }
0xd9: {  	v62 =	vmul.f32 v34, v34;
	v52 =	vor.u32 $0x36, v7;
	v39 =	vld.idx.msk [tilespmem:v58+s9+$0x0], $0xffff;
	v42 =	vadd.f32 v59, v42  }
0xda: {  	v43 =	vld.idx.msk [tilespmem:v60+s9+$0x0], $0xffff;
	v50 =	vor.u32 $0x35, v7;
	v56 =	vmul.f32 v35, v35;
	v63 =	vadd.f32 v61, v41  }
0xdb: {  	v57 =	vor.u32 $0x16, v7;
	v41 =	vld.idx.msk [tilespmem:v53+s9+$0x0], $0xffff;
	v58 =	vmul.f32 v36, v36;
	v45 =	vadd.f32 v62, v42  }
0xdc: {  	v54 =	vor.u32 $0x17, v7;
	v59 =	vmul.f32 v37, v37;
	v42 =	vld.idx.msk [tilespmem:v55+s9+$0x0], $0xffff;
	v48 =	vadd.f32 v56, v63  }
0xdd: {  	v61 =	vmul.f32 v38, v38;
	v44 =	vld.idx.msk [tilespmem:v49+s9+$0x0], $0xffff;
	v49 =	vor.u32 $0x37, v7;
	v60 =	vadd.f32 v58, v45  }
0xde: {  	v63 =	vor.u32 $0x18, v7;
	v47 =	vld.idx.msk [tilespmem:v52+s9+$0x0], $0xffff;
	v62 =	vmul.f32 v39, v39;
	v48 =	vadd.f32 v59, v48  }
0xdf: {  	v52 =	vor.u32 $0x19, v7;
	v45 =	vld.idx.msk [tilespmem:v50+s9+$0x0], $0xffff;
	v51 =	vadd.f32 v61, v60;
	v60 =	vmul.f32 v40, v40  }
0xe0: {  	v46 =	vld.idx.msk [tilespmem:v57+s9+$0x0], $0xffff;
	v56 =	vor.u32 $0x38, v7;
	v61 =	vmul.f32 v41, v41;
	v53 =	vadd.f32 v62, v48  }
0xe1: {  	v62 =	vmul.f32 v42, v42;
	v48 =	vld.idx.msk [tilespmem:v54+s9+$0x0], $0xffff;
	v54 =	vor.u32 $0x39, v7;
	v51 =	vadd.f32 v60, v51  }
0xe2: {  	v57 =	vmul.f32 v43, v43;
	v49 =	vld.idx.msk [tilespmem:v49+s9+$0x0], $0xffff;
	v53 =	vadd.f32 v61, v53  }
0xe3: {  	v58 =	vor.u32 $0x1A, v7;
	v59 =	vmul.f32 v44, v44;
	v50 =	vld.idx.msk [tilespmem:v63+s9+$0x0], $0xffff;
	v55 =	vadd.f32 v62, v51  }
0xe4: {  	v60 =	vor.u32 $0x3A, v7;
	v52 =	vld.idx.msk [tilespmem:v52+s9+$0x0], $0xffff;
	v53 =	vadd.f32 v57, v53;
	v57 =	vmul.f32 v45, v45  }
0xe5: {  	v51 =	vld.idx.msk [tilespmem:v56+s9+$0x0], $0xffff;
	v56 =	vor.u32 $0x1B, v7;
	v55 =	vadd.f32 v59, v55;
	v59 =	vmul.f32 v46, v46  }
0xe6: {  	v61 =	vor.u32 $0x3B, v7;
	v54 =	vld.idx.msk [tilespmem:v54+s9+$0x0], $0xffff;
	v53 =	vadd.f32 v57, v53;
	v57 =	vmul.f32 v47, v47  }
0xe7: {  	v62 =	vor.u32 $0x1C, v7;
	v55 =	vadd.f32 v59, v55;
	v59 =	vmul.f32 v48, v48  }
0xe8: {  	[tilespmem:$0x1FFA0] =	vst v5;
	v63 =	vor.u32 $0x3C, v7;
	v58 =	vld.idx.msk [tilespmem:v58+s9+$0x0], $0xffff;
	v53 =	vadd.f32 v57, v53;
	v57 =	vmul.f32 v49, v49  }
0xe9: {  	[tilespmem:$0x1FFC0] =	vst v1;
	v60 =	vld.idx.msk [tilespmem:v60+s9+$0x0], $0xffff;
	v55 =	vadd.f32 v59, v55;
	v59 =	vmul.f32 v50, v50  }
0xea: {  	v5 =	vor.u32 $0x1D, v7;
	[tilespmem:$0x1FFE0] =	vst v2;
	v56 =	vld.idx.msk [tilespmem:v56+s9+$0x0], $0xffff;
	v53 =	vadd.f32 v57, v53;
	v57 =	vmul.f32 v51, v51  }
0xeb: {  	v1 =	vmul.f32 v52, v52;
	v61 =	vld.idx.msk [tilespmem:v61+s9+$0x0], $0xffff;
	v2 =	vmul.f32 v54, v54;
	v55 =	vadd.f32 v59, v55  }
0xec: {  	v59 =	vor.u32 $0x3D, v7;
	v53 =	vadd.f32 v57, v53;
	v57 =	vld.idx.msk [tilespmem:v62+s9+$0x0], $0xffff;
	v62 =	vor.u32 $0x1E, v7  }
0xed: {  	[tilespmem:$0x1FFB0] =	vst v3;
	v3 =	vadd.f32 v1, v55;
	v55 =	vld.idx.msk [tilespmem:v63+s9+$0x0], $0xffff;
	v63 =	vor.u32 $0x3E, v7;
	v1 =	vmul.f32 v58, v58  }
0xee: {  	[tilespmem:$0x1FFD0] =	vst v4;
	v4 =	vadd.f32 v2, v53;
	v53 =	vor.u32 $0x1F, v7;
	v2 =	vmul.f32 v60, v60  }
0xef: {  	v1 =	vadd.f32 v1, v3;
	v3 =	vor.u32 $0x3F, v7;
	v7 =	vmul.f32 v56, v56  }
0xf0: {  	v15 =	vmul.f32 v17, v15;
	v5 =	vld.idx.msk [tilespmem:v5+s9+$0x0], $0xffff  }
0xf1: {  	v17 =	vmul.f32 v61, v61;
	v2 =	vadd.f32 v2, v4;
	v1 =	vadd.f32 v7, v1;
	v7 =	vld.idx.msk [tilespmem:v62+s9+$0x0], $0xffff  }
0xf2: {  	v62 =	vld [tilespmem:$0x1FFA0]  }
0xf3: {  	v2 =	vadd.f32 v17, v2;
	v17 =	vld.idx.msk [tilespmem:v63+s9+$0x0], $0xffff  }
0xf4: {  	v63 =	vld [tilespmem:$0x1FFB0];
	_ =	sdelay $0x1  }
0xf5: {  	v4 =	vld.idx.msk [tilespmem:v59+s9+$0x0], $0xffff;
	v59 =	vmul.f32 v57, v57;
	_ =	sdelay $0x1  }
0xf6: {  	v1 =	vadd.f32 v59, v1;
	v10 =	vmul.f32 v10, v62;
	v62 =	vmul.f32 v5, v5  }
0xf7: {  	v8 =	vmul.f32 v8, v63;
	v63 =	vld [tilespmem:$0x1FFD0]  }
0xf8: {  	v59 =	vmul.f32 v55, v55;
	v1 =	vadd.f32 v62, v1;
	v62 =	vld [tilespmem:$0x1FFC0]  }
0xf9: {  	v15 =	vadd.f32 $0.0e+00, v15;
	v53 =	vld.idx.msk [tilespmem:v53+s9+$0x0], $0xffff  }
0xfa: {  	v2 =	vadd.f32 v59, v2;
	v59 =	vld [tilespmem:$0x1FFE0]  }
0xfb: {  	v3 =	vld.idx.msk [tilespmem:v3+s9+$0x0], $0xffff;
	v10 =	vadd.f32 v10, v15  }
0xfc: {  	v15 =	vmul.f32 v4, v4  }
0xfd: {  	v8 =	vadd.f32 v8, v10;
	v10 =	vmul.f32 v63, v62;
	v62 =	vmul.f32 v7, v7  }
0xfe: {  	v2 =	vadd.f32 v15, v2;
	v63 =	vmul.f32 v17, v17  }
0xff: {  	v9 =	vmul.f32 v9, v59;
	v1 =	vadd.f32 v62, v1;
	v8 =	vadd.f32 v10, v8  }
0x100: {  	v62 =	vmul.f32 v53, v53;
	v2 =	vadd.f32 v63, v2;
	v63 =	vmul.f32 v3, v3  }
0x101: {  	v6 =	vmul.f32 v11, v6;
	v8 =	vadd.f32 v9, v8  }
0x102: {  	v1 =	vadd.f32 v62, v1;
	v2 =	vadd.f32 v63, v2  }
0x103: {  	v6 =	vadd.f32 v6, v8  }
0x104: {  	v15 =	vmul.f32 v13, v12;
	v1 =	vadd.f32 $1.000000000e+00, v1;
	v2 =	vadd.f32 $1.000000000e+00, v2;
	_ =	sdelay $0x1  }
0x105: {  	v16 =	vmul.f32 v16, v14;
	v6 =	vadd.f32 v15, v6;
	v1 =	vmul.f32 v2, v1;
	_ =	sdelay $0x1  }
0x106: {  	v2 =	vadd.f32 v16, v6;
	v6 =	vmul.f32 v19, v18;
	v59 =	vshra.s32 v1, $0x1  }
0x107: {  	v8 =	vadd.s32 $0x1FBD1DF6, v59  }
0x108: {  	v2 =	vadd.f32 v6, v2;
	v6 =	vmul.f32 v21, v20;
	(erf) = vrcp.f32 v8;
	_ =	sdelay $0x1  }
0x109: {  	v2 =	vadd.f32 v6, v2;
	v6 =	vmul.f32 v23, v22;
	_ =	sdelay $0x1  }
0x10a: {  	v2 =	vadd.f32 v6, v2;
	v6 =	vmul.f32 v25, v24;
	_ =	sdelay $0x1  }
0x10b: {  	v2 =	vadd.f32 v6, v2;
	v6 =	vmul.f32 v27, v26;
	_ =	sdelay $0x1  }
0x10c: {  	v2 =	vadd.f32 v6, v2;
	v6 =	vmul.f32 v29, v28  }
0x10d: {  	v62 =	vpop (erf)  }
0x10e: {  	v2 =	vadd.f32 v6, v2;
	v6 =	vmul.f32 v31, v30;
	v9 =	vmul.f32 v62, v1;
	_ =	sdelay $0x1  }
0x10f: {  	v2 =	vadd.f32 v6, v2;
	v6 =	vmul.f32 v33, v32;
	v8 =	vadd.f32 v8, v9;
	_ =	sdelay $0x1  }
0x110: {  	v2 =	vadd.f32 v6, v2;
	v6 =	vmul.f32 v35, v34;
	v8 =	vmul.f32 $5.000000000e-01, v8;
	_ =	sdelay $0x1  }
0x111: {  	v2 =	vadd.f32 v6, v2;
	v6 =	vmul.f32 v37, v36;
	(erf) = vrcp.f32 v8;
	_ =	sdelay $0x1  }
0x112: {  	v2 =	vadd.f32 v6, v2;
	v6 =	vmul.f32 v39, v38;
	_ =	sdelay $0x1  }
0x113: {  	v2 =	vadd.f32 v6, v2;
	v6 =	vmul.f32 v41, v40;
	_ =	sdelay $0x1  }
0x114: {  	v2 =	vadd.f32 v6, v2;
	v6 =	vmul.f32 v43, v42;
	_ =	sdelay $0x1  }
0x115: {  	v2 =	vadd.f32 v6, v2;
	v6 =	vmul.f32 v45, v44  }
0x116: {  	v63 =	vpop (erf)  }
0x117: {  	v2 =	vadd.f32 v6, v2;
	v6 =	vmul.f32 v47, v46;
	v9 =	vmul.f32 v63, v1;
	_ =	sdelay $0x1  }
0x118: {  	v2 =	vadd.f32 v6, v2;
	v6 =	vmul.f32 v49, v48;
	v8 =	vadd.f32 v9, v8;
	_ =	sdelay $0x1  }
0x119: {  	v2 =	vadd.f32 v6, v2;
	v6 =	vmul.f32 v51, v50;
	v8 =	vmul.f32 $5.000000000e-01, v8;
	_ =	sdelay $0x1  }
0x11a: {  	v2 =	vadd.f32 v6, v2;
	v6 =	vmul.f32 v54, v52;
	(erf) = vrcp.f32 v8;
	_ =	sdelay $0x1  }
0x11b: {  	v2 =	vadd.f32 v6, v2;
	v6 =	vmul.f32 v60, v58;
	_ =	sdelay $0x1  }
0x11c: {  	v2 =	vadd.f32 v6, v2;
	v6 =	vmul.f32 v61, v56;
	_ =	sdelay $0x1  }
0x11d: {  	v2 =	vadd.f32 v6, v2;
	v6 =	vmul.f32 v55, v57;
	_ =	sdelay $0x1  }
0x11e: {  	v4 =	vmul.f32 v4, v5;
	v2 =	vadd.f32 v6, v2  }
0x11f: {  	v5 =	vpop (erf)  }
0x120: {  	v2 =	vadd.f32 v4, v2;
	v4 =	vmul.f32 v17, v7;
	v1 =	vmul.f32 v5, v1;
	_ =	sdelay $0x1  }
0x121: {  	v3 =	vmul.f32 v3, v53;
	v2 =	vadd.f32 v4, v2;
	v1 =	vadd.f32 v1, v8;
	_ =	sdelay $0x1  }
0x122: {  	s31 =	simm.s32 $0x20;
	v2 =	vadd.f32 v3, v2;
	v1 =	vmul.f32 $5.000000000e-01, v1  }
0x123: {  	v3 =	vmov s31  }
0x124: {  	v3 =	vshll.u32 v3, $0x6;
	v4 =	vadd.f32 v1, v1;
	v5 =	vadd.f32 v2, v2  }
0x125: {  	v1 =	vor.u32 v0, v3  }
0x126: {  	s28 =	simm.s32 $0x30;
	s26 =	simm.s32 $0x8400;
	v2 =	vor.u32 $0x1C, v1;
	v3 =	vor.u32 $0x1, v1;
	v4 =	vsub.f32 v4, v5  }
.LBB2_2:
0x127: {  	_ = 	snop  }
0x128: {  	v4 =	vadd.f32 $-1.999989990e+00, v4  }
0x129: {  	s26 =	sadd.s32 $0x10, s26  }
0x12a: {  	[tilespmem:s26+$0x0] =	vst v4  }
0x12b: {  	v0 =	vld.idx.msk [tilespmem:v2+s9+$0x0], $0xffff  }
0x12c: {  	v5 =	vor.u32 $0x21, v1  }
0x12d: {  	v7 =	vor.u32 $0x20, v1  }
0x12e: {  	v8 =	vor.u32 $0x22, v1  }
0x12f: {  	v9 =	vor.u32 $0x23, v1;
	v16 =	vld.idx.msk [tilespmem:v1+s9+$0x0], $0xffff  }
0x130: {  	v4 =	vor.u32 $0x2, v1;
	[tilespmem:$0x1FEE0] =	vst v0;
	v0 =	vld.idx.msk [tilespmem:v3+s9+$0x0], $0xffff  }
0x131: {  	v3 =	vld.idx.msk [tilespmem:v5+s9+$0x0], $0xffff;
	v5 =	vor.u32 $0x3, v1  }
0x132: {  	v11 =	vor.u32 $0x4, v1;
	v17 =	vld.idx.msk [tilespmem:v7+s9+$0x0], $0xffff  }
0x133: {  	v12 =	vor.u32 $0x24, v1;
	v10 =	vld.idx.msk [tilespmem:v8+s9+$0x0], $0xffff  }
0x134: {  	v13 =	vor.u32 $0x5, v1;
	v8 =	vld.idx.msk [tilespmem:v9+s9+$0x0], $0xffff  }
0x135: {  	v14 =	vor.u32 $0x25, v1;
	v4 =	vld.idx.msk [tilespmem:v4+s9+$0x0], $0xffff  }
0x136: {  	v15 =	vor.u32 $0x6, v1;
	v2 =	vld.idx.msk [tilespmem:v5+s9+$0x0], $0xffff  }
0x137: {  	v19 =	vor.u32 $0x26, v1;
	[tilespmem:$0x1FEF0] =	vst v0;
	v18 =	vmul.f32 v0, v0;
	v0 =	vld.idx.msk [tilespmem:v11+s9+$0x0], $0xffff  }
0x138: {  	v22 =	vor.u32 $0x7, v1;
	v11 =	vld.idx.msk [tilespmem:v12+s9+$0x0], $0xffff  }
0x139: {  	v24 =	vor.u32 $0x8, v1;
	[tilespmem:$0x1FF00] =	vst v3;
	v21 =	vmul.f32 v3, v3;
	v3 =	vld.idx.msk [tilespmem:v13+s9+$0x0], $0xffff  }
0x13a: {  	v48 =	vor.u32 $0x29, v1;
	v41 =	vmul.f32 v16, v16;
	v20 =	vmul.f32 v17, v17;
	v13 =	vld.idx.msk [tilespmem:v14+s9+$0x0], $0xffff  }
0x13b: {  	v23 =	vor.u32 $0x27, v1;
	v51 =	vor.u32 $0x2A, v1;
	v44 =	vmul.f32 v10, v10;
	v12 =	vld.idx.msk [tilespmem:v15+s9+$0x0], $0xffff  }
0x13c: {  	v43 =	vmul.f32 v4, v4;
	v14 =	vld.idx.msk [tilespmem:v19+s9+$0x0], $0xffff;
	v42 =	vadd.f32 v18, v41;
	v20 =	vadd.f32 v21, v20  }
0x13d: {  	v26 =	vor.u32 $0x28, v1;
	v45 =	vmul.f32 v8, v8;
	v15 =	vld.idx.msk [tilespmem:v22+s9+$0x0], $0xffff  }
0x13e: {  	v19 =	vld.idx.msk [tilespmem:v24+s9+$0x0], $0xffff;
	v18 =	vadd.f32 v43, v42;
	v20 =	vadd.f32 v44, v20;
	v25 =	vmul.f32 v2, v2  }
0x13f: {  	v27 =	vor.u32 $0x9, v1;
	v22 =	vld.idx.msk [tilespmem:v48+s9+$0x0], $0xffff;
	v47 =	vmul.f32 v0, v0  }
0x140: {  	v24 =	vld.idx.msk [tilespmem:v51+s9+$0x0], $0xffff;
	v49 =	vmul.f32 v11, v11;
	v20 =	vadd.f32 v45, v20;
	v46 =	vadd.f32 v25, v18  }
0x141: {  	v50 =	vor.u32 $0xA, v1;
	v54 =	vor.u32 $0x2B, v1;
	v28 =	vmul.f32 v3, v3;
	v18 =	vld.idx.msk [tilespmem:v23+s9+$0x0], $0xffff  }
0x142: {  	v6 =	vld [tilespmem:$0x1FEF0];
	v30 =	vmul.f32 v13, v13;
	v29 =	vadd.f32 v49, v20;
	v25 =	vadd.f32 v47, v46  }
0x143: {  	v52 =	vor.u32 $0xB, v1;
	v31 =	vor.u32 $0xC, v1;
	v21 =	vld.idx.msk [tilespmem:v26+s9+$0x0], $0xffff;
	v53 =	vmul.f32 v12, v12  }
0x144: {  	v7 =	vld [tilespmem:$0x1FF00];
	v55 =	vmul.f32 v14, v14;
	v29 =	vadd.f32 v30, v29;
	v25 =	vadd.f32 v28, v25  }
0x145: {  	v32 =	vor.u32 $0x2C, v1;
	v36 =	vor.u32 $0xE, v1;
	v56 =	vmul.f32 v15, v15;
	v20 =	vld.idx.msk [tilespmem:v27+s9+$0x0], $0xffff  }
0x146: {  	v26 =	vld.idx.msk [tilespmem:v54+s9+$0x0], $0xffff;
	v29 =	vadd.f32 v55, v29;
	v57 =	vmul.f32 v18, v18;
	v25 =	vadd.f32 v53, v25  }
0x147: {  	v33 =	vor.u32 $0xD, v1;
	v35 =	vor.u32 $0x2D, v1;
	v34 =	vmul.f32 v19, v19;
	v23 =	vld.idx.msk [tilespmem:v50+s9+$0x0], $0xffff  }
0x148: {  	v58 =	vmul.f32 v21, v21;
	v27 =	vld.idx.msk [tilespmem:v31+s9+$0x0], $0xffff;
	v29 =	vadd.f32 v57, v29;
	v28 =	vadd.f32 v56, v25  }
0x149: {  	v38 =	vor.u32 $0x2E, v1;
	v48 =	vor.u32 $0x30, v1;
	v59 =	vmul.f32 v22, v22;
	v25 =	vld.idx.msk [tilespmem:v52+s9+$0x0], $0xffff  }
0x14a: {  	v31 =	vld.idx.msk [tilespmem:v36+s9+$0x0], $0xffff;
	v37 =	vmul.f32 v20, v20;
	v30 =	vadd.f32 v58, v29;
	v34 =	vadd.f32 v34, v28  }
0x14b: {  	v39 =	vor.u32 $0xF, v1;
	v62 =	vor.u32 $0x2F, v1;
	v40 =	vmul.f32 v24, v24;
	v28 =	vld.idx.msk [tilespmem:v32+s9+$0x0], $0xffff  }
0x14c: {  	v61 =	vmul.f32 v23, v23;
	v29 =	vld.idx.msk [tilespmem:v33+s9+$0x0], $0xffff;
	v63 =	vadd.f32 v59, v30;
	v60 =	vadd.f32 v37, v34  }
0x14d: {  	v9 =	vor.u32 $0x10, v1;
	v44 =	vor.u32 $0x12, v1;
	v42 =	vmul.f32 v26, v26;
	v30 =	vld.idx.msk [tilespmem:v35+s9+$0x0], $0xffff  }
0x14e: {  	v36 =	vld.idx.msk [tilespmem:v48+s9+$0x0], $0xffff;
	v41 =	vmul.f32 v25, v25;
	v40 =	vadd.f32 v40, v63;
	v34 =	vadd.f32 v61, v60  }
0x14f: {  	v50 =	vor.u32 $0x31, v1;
	v49 =	vor.u32 $0x11, v1;
	v43 =	vmul.f32 v27, v27;
	v32 =	vld.idx.msk [tilespmem:v38+s9+$0x0], $0xffff  }
0x150: {  	v33 =	vld.idx.msk [tilespmem:v39+s9+$0x0], $0xffff;
	v40 =	vadd.f32 v42, v40;
	v51 =	vmul.f32 v28, v28;
	v41 =	vadd.f32 v41, v34  }
0x151: {  	v54 =	vor.u32 $0x32, v1;
	v58 =	vor.u32 $0x34, v1;
	v53 =	vmul.f32 v29, v29;
	v34 =	vld.idx.msk [tilespmem:v62+s9+$0x0], $0xffff  }
0x152: {  	v35 =	vld.idx.msk [tilespmem:v9+s9+$0x0], $0xffff;
	v55 =	vmul.f32 v30, v30;
	v40 =	vadd.f32 v51, v40;
	v52 =	vadd.f32 v43, v41  }
0x153: {  	v45 =	vor.u32 $0x13, v1;
	v47 =	vor.u32 $0x33, v1;
	v46 =	vmul.f32 v31, v31;
	v39 =	vld.idx.msk [tilespmem:v44+s9+$0x0], $0xffff  }
0x154: {  	v37 =	vld.idx.msk [tilespmem:v49+s9+$0x0], $0xffff;
	v56 =	vmul.f32 v32, v32;
	v40 =	vadd.f32 v55, v40;
	v41 =	vadd.f32 v53, v52  }
0x155: {  	v6 =	vmul.f32 v7, v6;
	v48 =	vor.u32 $0x14, v1;
	v38 =	vld.idx.msk [tilespmem:v50+s9+$0x0], $0xffff;
	v57 =	vmul.f32 v33, v33  }
0x156: {  	v44 =	vld.idx.msk [tilespmem:v58+s9+$0x0], $0xffff;
	v42 =	vadd.f32 v56, v40;
	v49 =	vmul.f32 v34, v34;
	v41 =	vadd.f32 v46, v41  }
0x157: {  	v50 =	vor.u32 $0x15, v1;
	v60 =	vmul.f32 v35, v35;
	v62 =	vmul.f32 v36, v36;
	v40 =	vld.idx.msk [tilespmem:v54+s9+$0x0], $0xffff  }
0x158: {  	v51 =	vor.u32 $0x35, v1;
	v61 =	vadd.f32 v49, v42;
	v42 =	vld.idx.msk [tilespmem:v47+s9+$0x0], $0xffff;
	v59 =	vadd.f32 v57, v41  }
0x159: {  	[tilespmem:$0x1FF10] =	vst v4;
	v9 =	vor.u32 $0x36, v1;
	v63 =	vor.u32 $0x16, v1;
	v52 =	vmul.f32 v37, v37;
	v41 =	vld.idx.msk [tilespmem:v45+s9+$0x0], $0xffff  }
0x15a: {  	v43 =	vld.idx.msk [tilespmem:v48+s9+$0x0], $0xffff;
	v53 =	vmul.f32 v38, v38;
	v49 =	vadd.f32 v62, v61;
	v46 =	vadd.f32 v60, v59  }
0x15b: {  	v7 =	vld [tilespmem:$0x1FF10];
	v55 =	vmul.f32 v39, v39;
	v54 =	vor.u32 $0x17, v1;
	v60 =	vor.u32 $0x37, v1  }
0x15c: {  	v45 =	vld.idx.msk [tilespmem:v50+s9+$0x0], $0xffff;
	v61 =	vmul.f32 v40, v40;
	v49 =	vadd.f32 v53, v49;
	v52 =	vadd.f32 v52, v46  }
0x15d: {  	v16 =	vmul.f32 v17, v16;
	v56 =	vor.u32 $0x38, v1;
	v46 =	vld.idx.msk [tilespmem:v51+s9+$0x0], $0xffff;
	v57 =	vmul.f32 v42, v42  }
0x15e: {  	v48 =	vld.idx.msk [tilespmem:v9+s9+$0x0], $0xffff;
	v62 =	vmul.f32 v41, v41;
	v53 =	vadd.f32 v61, v49;
	v52 =	vadd.f32 v55, v52  }
0x15f: {  	v9 =	vmul.f32 v44, v44;
	v47 =	vld.idx.msk [tilespmem:v63+s9+$0x0], $0xffff;
	v63 =	vmul.f32 v43, v43;
	v51 =	vor.u32 $0x18, v1  }
0x160: {  	v49 =	vld.idx.msk [tilespmem:v54+s9+$0x0], $0xffff;
	v54 =	vor.u32 $0x39, v1;
	v53 =	vadd.f32 v57, v53;
	v52 =	vadd.f32 v62, v52  }
0x161: {  	v58 =	vor.u32 $0x19, v1;
	v59 =	vor.u32 $0x1A, v1;
	v50 =	vld.idx.msk [tilespmem:v60+s9+$0x0], $0xffff;
	v60 =	vmul.f32 v45, v45  }
0x162: {  	v57 =	vadd.f32 v9, v53;
	v62 =	vmul.f32 v46, v46;
	v55 =	vadd.f32 v63, v52  }
0x163: {  	v16 =	vadd.f32 $0.0e+00, v16;
	[tilespmem:$0x1FF20] =	vst v2;
	v9 =	vmul.f32 v48, v48;
	v52 =	vld.idx.msk [tilespmem:v56+s9+$0x0], $0xffff  }
0x164: {  	v51 =	vld.idx.msk [tilespmem:v51+s9+$0x0], $0xffff;
	v56 =	vmul.f32 v47, v47;
	v57 =	vadd.f32 v62, v57;
	v55 =	vadd.f32 v60, v55  }
0x165: {  	[tilespmem:$0x1FF30] =	vst v0;
	v6 =	vadd.f32 v6, v16;
	v7 =	vmul.f32 v10, v7;
	v63 =	vor.u32 $0x1B, v1;
	v54 =	vld.idx.msk [tilespmem:v54+s9+$0x0], $0xffff  }
0x166: {  	v2 =	vadd.f32 v56, v55;
	v55 =	vld.idx.msk [tilespmem:v59+s9+$0x0], $0xffff;
	v59 =	vadd.f32 v9, v57;
	v9 =	vmul.f32 v50, v50  }
0x167: {  	[tilespmem:$0x1FF40] =	vst v3;
	v3 =	vor.u32 $0x3E, v1;
	v53 =	vld.idx.msk [tilespmem:v58+s9+$0x0], $0xffff;
	v0 =	vmul.f32 v49, v49  }
0x168: {  	v6 =	vadd.f32 v7, v6;
	v7 =	vld [tilespmem:$0x1FF20];
	v60 =	vadd.f32 v9, v59;
	v9 =	vmul.f32 v52, v52  }
0x169: {  	v4 =	vor.u32 $0x1D, v1;
	v62 =	vor.u32 $0x3C, v1;
	v0 =	vadd.f32 v0, v2  }
0x16a: {  	v2 =	vmul.f32 v51, v51;
	v59 =	vadd.f32 v9, v60;
	v9 =	vmul.f32 v54, v54  }
0x16b: {  	v57 =	vld.idx.msk [tilespmem:v63+s9+$0x0], $0xffff;
	v63 =	vor.u32 $0x1E, v1  }
0x16c: {  	v2 =	vadd.f32 v2, v0;
	v0 =	vmul.f32 v53, v53;
	v60 =	vadd.f32 v9, v59;
	v9 =	vld.idx.msk [tilespmem:v3+s9+$0x0], $0xffff  }
0x16d: {  	v7 =	vmul.f32 v8, v7;
	v61 =	vor.u32 $0x3A, v1;
	v3 =	vld [tilespmem:$0x1FEE0]  }
0x16e: {  	v5 =	vld.idx.msk [tilespmem:v62+s9+$0x0], $0xffff;
	v62 =	vor.u32 $0x1F, v1;
	v0 =	vadd.f32 v0, v2;
	v2 =	vmul.f32 v55, v55  }
0x16f: {  	v4 =	vld.idx.msk [tilespmem:v4+s9+$0x0], $0xffff;
	v58 =	vor.u32 $0x3B, v1  }
0x170: {  	v6 =	vadd.f32 v7, v6;
	v7 =	vld [tilespmem:$0x1FF30];
	v2 =	vadd.f32 v2, v0;
	v0 =	vmul.f32 v57, v57  }
0x171: {  	v63 =	vld.idx.msk [tilespmem:v63+s9+$0x0], $0xffff  }
0x172: {  	v56 =	vld.idx.msk [tilespmem:v61+s9+$0x0], $0xffff;
	v0 =	vadd.f32 v0, v2;
	v2 =	vmul.f32 v3, v3  }
0x173: {  	v61 =	vor.u32 $0x3D, v1;
	v62 =	vld.idx.msk [tilespmem:v62+s9+$0x0], $0xffff  }
0x174: {  	v58 =	vld.idx.msk [tilespmem:v58+s9+$0x0], $0xffff;
	v0 =	vadd.f32 v2, v0;
	v2 =	vmul.f32 v4, v4;
	_ =	sdelay $0x1  }
0x175: {  	v1 =	vor.u32 $0x3F, v1;
	v0 =	vadd.f32 v2, v0;
	v2 =	vmul.f32 v63, v63  }
0x176: {  	v59 =	vmul.f32 v56, v56  }
0x177: {  	v7 =	vmul.f32 v11, v7;
	v61 =	vld.idx.msk [tilespmem:v61+s9+$0x0], $0xffff;
	v0 =	vadd.f32 v2, v0;
	v2 =	vmul.f32 v62, v62  }
0x178: {  	v60 =	vadd.f32 v59, v60;
	v59 =	vmul.f32 v58, v58  }
0x179: {  	v0 =	vadd.f32 v2, v0;
	v2 =	vadd.f32 v7, v6;
	v6 =	vld [tilespmem:$0x1FF40]  }
0x17a: {  	v17 =	vmul.f32 v5, v5;
	v1 =	vld.idx.msk [tilespmem:v1+s9+$0x0], $0xffff;
	v59 =	vadd.f32 v59, v60;
	_ =	sdelay $0x1  }
0x17b: {  	v60 =	vmul.f32 v61, v61;
	v10 =	vadd.f32 v17, v59;
	_ =	sdelay $0x1  }
0x17c: {  	v59 =	vmul.f32 v9, v9;
	v60 =	vadd.f32 v60, v10;
	v6 =	vmul.f32 v13, v6  }
0x17d: {  	v17 =	vmul.f32 v1, v1  }
0x17e: {  	v8 =	vadd.f32 v59, v60;
	v2 =	vadd.f32 v6, v2;
	v6 =	vmul.f32 v14, v12;
	_ =	sdelay $0x1  }
0x17f: {  	v7 =	vadd.f32 v17, v8;
	v2 =	vadd.f32 v6, v2;
	v6 =	vmul.f32 v18, v15  }
0x180: {  	v0 =	vadd.f32 $1.000000000e+00, v0  }
0x181: {  	v7 =	vadd.f32 $1.000000000e+00, v7;
	v2 =	vadd.f32 v6, v2;
	v6 =	vmul.f32 v21, v19;
	_ =	sdelay $0x1  }
0x182: {  	v0 =	vmul.f32 v7, v0;
	v2 =	vadd.f32 v6, v2;
	v6 =	vmul.f32 v22, v20;
	_ =	sdelay $0x1  }
0x183: {  	v7 =	vshra.s32 v0, $0x1;
	v2 =	vadd.f32 v6, v2;
	v6 =	vmul.f32 v24, v23  }
0x184: {  	v7 =	vadd.s32 $0x1FBD1DF6, v7  }
0x185: {  	(erf) = vrcp.f32 v7;
	v2 =	vadd.f32 v6, v2;
	v6 =	vmul.f32 v26, v25;
	_ =	sdelay $0x1  }
0x186: {  	v2 =	vadd.f32 v6, v2;
	v6 =	vmul.f32 v28, v27;
	_ =	sdelay $0x1  }
0x187: {  	v2 =	vadd.f32 v6, v2;
	v6 =	vmul.f32 v30, v29;
	_ =	sdelay $0x1  }
0x188: {  	v2 =	vadd.f32 v6, v2;
	v6 =	vmul.f32 v32, v31;
	_ =	sdelay $0x1  }
0x189: {  	v2 =	vadd.f32 v6, v2;
	v6 =	vmul.f32 v34, v33  }
0x18a: {  	v59 =	vpop (erf)  }
0x18b: {  	v8 =	vmul.f32 v59, v0;
	v2 =	vadd.f32 v6, v2;
	v6 =	vmul.f32 v36, v35;
	_ =	sdelay $0x1  }
0x18c: {  	v7 =	vadd.f32 v7, v8;
	v2 =	vadd.f32 v6, v2;
	v6 =	vmul.f32 v38, v37;
	_ =	sdelay $0x1  }
0x18d: {  	v7 =	vmul.f32 $5.000000000e-01, v7;
	v2 =	vadd.f32 v6, v2;
	v6 =	vmul.f32 v40, v39;
	_ =	sdelay $0x1  }
0x18e: {  	(erf) = vrcp.f32 v7;
	v2 =	vadd.f32 v6, v2;
	v6 =	vmul.f32 v42, v41;
	_ =	sdelay $0x1  }
0x18f: {  	v2 =	vadd.f32 v6, v2;
	v6 =	vmul.f32 v44, v43;
	_ =	sdelay $0x1  }
0x190: {  	v2 =	vadd.f32 v6, v2;
	v6 =	vmul.f32 v46, v45;
	_ =	sdelay $0x1  }
0x191: {  	v2 =	vadd.f32 v6, v2;
	v6 =	vmul.f32 v48, v47;
	_ =	sdelay $0x1  }
0x192: {  	v2 =	vadd.f32 v6, v2;
	v6 =	vmul.f32 v50, v49  }
0x193: {  	v60 =	vpop (erf)  }
0x194: {  	v8 =	vmul.f32 v60, v0;
	v2 =	vadd.f32 v6, v2;
	v6 =	vmul.f32 v52, v51;
	_ =	sdelay $0x1  }
0x195: {  	v7 =	vadd.f32 v8, v7;
	v2 =	vadd.f32 v6, v2;
	v6 =	vmul.f32 v54, v53;
	_ =	sdelay $0x1  }
0x196: {  	v7 =	vmul.f32 $5.000000000e-01, v7;
	v2 =	vadd.f32 v6, v2;
	v6 =	vmul.f32 v56, v55;
	_ =	sdelay $0x1  }
0x197: {  	(erf) = vrcp.f32 v7;
	v2 =	vadd.f32 v6, v2;
	v6 =	vmul.f32 v58, v57;
	_ =	sdelay $0x1  }
0x198: {  	v3 =	vmul.f32 v5, v3;
	v2 =	vadd.f32 v6, v2;
	_ =	sdelay $0x1  }
0x199: {  	v4 =	vmul.f32 v61, v4;
	v2 =	vadd.f32 v3, v2;
	_ =	sdelay $0x1  }
0x19a: {  	v3 =	vmul.f32 v9, v63;
	v2 =	vadd.f32 v4, v2;
	_ =	sdelay $0x1  }
0x19b: {  	v1 =	vmul.f32 v1, v62;
	v2 =	vadd.f32 v3, v2  }
0x19c: {  	v5 =	vpop (erf)  }
0x19d: {  	v0 =	vmul.f32 v5, v0;
	v1 =	vadd.f32 v1, v2;
	_ =	sdelay $0x1  }
0x19e: {  	v0 =	vadd.f32 v0, v7;
	v3 =	vadd.f32 v1, v1;
	v1 =	vld [tilespmem:$0x1FFF0]  }
0x19f: {  	p0 =	sne.s32 s28, $0x1F0  }
.Ltmp0:
0x1a0: {  	v0 =	vmul.f32 $5.000000000e-01, v0;
	(pc) =	sbr.rel @p0 .LBB2_2-.Ltmp0, $4  }
0x1a1: {  	v2 =	vmov s28  }
0x1a2: {  	v0 =	vadd.f32 v0, v0;
	v2 =	vshll.u32 v2, $0x6  }
0x1a3: {  	v1 =	vor.u32 v1, v2  }
0x1a4: {  	s28 =	sadd.s32 $0x10, s28;
	v4 =	vsub.f32 v0, v3;
	v2 =	vor.u32 $0x1C, v1;
	v3 =	vor.u32 $0x1, v1  }
0x1a5: {  	v0 =	vor.u32 $0x21, v1  }
0x1a6: {  	v4 =	vadd.f32 $-1.999989990e+00, v4  }
0x1a7: {  	s26 =	sadd.s32 $0x10, s26;
	v5 =	vor.u32 $0x20, v1  }
0x1a8: {  	v30 =	vor.u32 $0x2, v1;
	[tilespmem:s26+$0x0] =	vst v4  }
0x1a9: {  	v7 =	vld.idx.msk [tilespmem:v3+s9+$0x0], $0xffff;
	v3 =	vor.u32 $0x22, v1  }
0x1aa: {  	v11 =	vld.idx.msk [tilespmem:v0+s9+$0x0], $0xffff;
	v0 =	vor.u32 $0x3, v1  }
0x1ab: {  	v6 =	vor.u32 $0x23, v1;
	v16 =	vld.idx.msk [tilespmem:v1+s9+$0x0], $0xffff  }
0x1ac: {  	v8 =	vor.u32 $0x4, v1;
	v18 =	vld.idx.msk [tilespmem:v5+s9+$0x0], $0xffff  }
0x1ad: {  	v10 =	vor.u32 $0x24, v1;
	v31 =	vld.idx.msk [tilespmem:v30+s9+$0x0], $0xffff  }
0x1ae: {  	v12 =	vor.u32 $0x5, v1;
	v9 =	vld.idx.msk [tilespmem:v3+s9+$0x0], $0xffff  }
0x1af: {  	v3 =	vld.idx.msk [tilespmem:v0+s9+$0x0], $0xffff;
	v0 =	vor.u32 $0x25, v1  }
0x1b0: {  	v13 =	vor.u32 $0x6, v1;
	v6 =	vld.idx.msk [tilespmem:v6+s9+$0x0], $0xffff;
	v14 =	vmul.f32 v16, v16;
	v15 =	vmul.f32 v7, v7  }
0x1b1: {  	v17 =	vor.u32 $0x26, v1;
	v32 =	vld.idx.msk [tilespmem:v8+s9+$0x0], $0xffff;
	v19 =	vmul.f32 v18, v18;
	v20 =	vmul.f32 v11, v11  }
0x1b2: {  	v21 =	vor.u32 $0x7, v1;
	v10 =	vld.idx.msk [tilespmem:v10+s9+$0x0], $0xffff;
	v33 =	vmul.f32 v31, v31;
	v14 =	vadd.f32 v15, v14  }
0x1b3: {  	v22 =	vor.u32 $0x27, v1;
	v8 =	vld.idx.msk [tilespmem:v12+s9+$0x0], $0xffff;
	v19 =	vadd.f32 v20, v19;
	v34 =	vmul.f32 v9, v9  }
0x1b4: {  	v15 =	vadd.f32 v33, v14;
	v12 =	vld.idx.msk [tilespmem:v0+s9+$0x0], $0xffff;
	v0 =	vor.u32 $0x8, v1;
	v23 =	vmul.f32 v3, v3  }
0x1b5: {  	v24 =	vor.u32 $0x28, v1;
	v13 =	vld.idx.msk [tilespmem:v13+s9+$0x0], $0xffff;
	v35 =	vmul.f32 v6, v6;
	v19 =	vadd.f32 v34, v19  }
0x1b6: {  	v25 =	vor.u32 $0x9, v1;
	v26 =	vmul.f32 v32, v32;
	v14 =	vld.idx.msk [tilespmem:v17+s9+$0x0], $0xffff;
	v23 =	vadd.f32 v23, v15  }
0x1b7: {  	v27 =	vor.u32 $0x29, v1;
	v36 =	vmul.f32 v10, v10;
	v15 =	vld.idx.msk [tilespmem:v21+s9+$0x0], $0xffff;
	v20 =	vadd.f32 v35, v19  }
0x1b8: {  	v28 =	vor.u32 $0xA, v1;
	v38 =	vmul.f32 v8, v8;
	v17 =	vld.idx.msk [tilespmem:v22+s9+$0x0], $0xffff;
	v37 =	vadd.f32 v26, v23  }
0x1b9: {  	v19 =	vld.idx.msk [tilespmem:v0+s9+$0x0], $0xffff;
	v0 =	vor.u32 $0x2A, v1;
	v39 =	vadd.f32 v36, v20;
	v29 =	vmul.f32 v12, v12  }
0x1ba: {  	v30 =	vor.u32 $0xB, v1;
	v40 =	vmul.f32 v13, v13;
	v20 =	vld.idx.msk [tilespmem:v24+s9+$0x0], $0xffff;
	v23 =	vadd.f32 v38, v37  }
0x1bb: {  	[tilespmem:$0x1FEA0] =	vst v31;
	v31 =	vor.u32 $0x2B, v1;
	v21 =	vld.idx.msk [tilespmem:v25+s9+$0x0], $0xffff;
	v42 =	vmul.f32 v14, v14;
	v41 =	vadd.f32 v29, v39  }
0x1bc: {  	v43 =	vor.u32 $0xC, v1;
	[tilespmem:$0x1FED0] =	vst v32;
	v22 =	vld.idx.msk [tilespmem:v27+s9+$0x0], $0xffff;
	v32 =	vmul.f32 v15, v15;
	v44 =	vadd.f32 v40, v23  }
0x1bd: {  	v45 =	vor.u32 $0x2C, v1;
	v33 =	vmul.f32 v17, v17;
	v23 =	vld.idx.msk [tilespmem:v28+s9+$0x0], $0xffff;
	v26 =	vadd.f32 v42, v41  }
0x1be: {  	v24 =	vld.idx.msk [tilespmem:v0+s9+$0x0], $0xffff;
	v0 =	vor.u32 $0xD, v1;
	v29 =	vadd.f32 v32, v44;
	v46 =	vmul.f32 v19, v19  }
0x1bf: {  	v47 =	vor.u32 $0x2D, v1;
	v25 =	vld.idx.msk [tilespmem:v30+s9+$0x0], $0xffff;
	v34 =	vmul.f32 v20, v20;
	v33 =	vadd.f32 v33, v26  }
0x1c0: {  	v48 =	vor.u32 $0xE, v1;
	v49 =	vmul.f32 v21, v21;
	v26 =	vld.idx.msk [tilespmem:v31+s9+$0x0], $0xffff;
	v29 =	vadd.f32 v46, v29  }
0x1c1: {  	v27 =	vld.idx.msk [tilespmem:v43+s9+$0x0], $0xffff;
	v35 =	vor.u32 $0x2E, v1;
	v50 =	vmul.f32 v22, v22;
	v33 =	vadd.f32 v34, v33  }
0x1c2: {  	v36 =	vor.u32 $0xF, v1;
	v28 =	vld.idx.msk [tilespmem:v45+s9+$0x0], $0xffff;
	v37 =	vmul.f32 v23, v23;
	v32 =	vadd.f32 v49, v29  }
0x1c3: {  	v29 =	vld.idx.msk [tilespmem:v0+s9+$0x0], $0xffff;
	v0 =	vor.u32 $0x2F, v1;
	v33 =	vadd.f32 v50, v33;
	v51 =	vmul.f32 v24, v24  }
0x1c4: {  	v30 =	vld.idx.msk [tilespmem:v47+s9+$0x0], $0xffff;
	v38 =	vor.u32 $0x10, v1;
	v39 =	vmul.f32 v25, v25;
	v37 =	vadd.f32 v37, v32  }
0x1c5: {  	v40 =	vor.u32 $0x30, v1;
	v31 =	vld.idx.msk [tilespmem:v48+s9+$0x0], $0xffff;
	v41 =	vmul.f32 v26, v26;
	v34 =	vadd.f32 v51, v33  }
0x1c6: {  	v53 =	vmul.f32 v27, v27;
	v42 =	vor.u32 $0x11, v1;
	v32 =	vld.idx.msk [tilespmem:v35+s9+$0x0], $0xffff;
	v52 =	vadd.f32 v39, v37  }
0x1c7: {  	v54 =	vor.u32 $0x31, v1;
	v56 =	vmul.f32 v28, v28;
	v33 =	vld.idx.msk [tilespmem:v36+s9+$0x0], $0xffff;
	v55 =	vadd.f32 v41, v34  }
0x1c8: {  	v34 =	vld.idx.msk [tilespmem:v0+s9+$0x0], $0xffff;
	v0 =	vor.u32 $0x12, v1;
	v37 =	vadd.f32 v53, v52;
	v43 =	vmul.f32 v29, v29  }
0x1c9: {  	v58 =	vmul.f32 v30, v30;
	v44 =	vor.u32 $0x32, v1;
	v35 =	vld.idx.msk [tilespmem:v38+s9+$0x0], $0xffff;
	v57 =	vadd.f32 v56, v55  }
0x1ca: {  	v45 =	vor.u32 $0x13, v1;
	v60 =	vmul.f32 v31, v31;
	v36 =	vld.idx.msk [tilespmem:v40+s9+$0x0], $0xffff;
	v59 =	vadd.f32 v43, v37  }
0x1cb: {  	v61 =	vor.u32 $0x33, v1;
	v46 =	vmul.f32 v32, v32;
	v37 =	vld.idx.msk [tilespmem:v42+s9+$0x0], $0xffff;
	v41 =	vadd.f32 v58, v57  }
0x1cc: {  	v47 =	vor.u32 $0x14, v1;
	v38 =	vld.idx.msk [tilespmem:v54+s9+$0x0], $0xffff;
	v48 =	vmul.f32 v33, v33;
	v43 =	vadd.f32 v60, v59  }
0x1cd: {  	v39 =	vld.idx.msk [tilespmem:v0+s9+$0x0], $0xffff;
	v0 =	vor.u32 $0x34, v1;
	v46 =	vadd.f32 v46, v41;
	v49 =	vmul.f32 v34, v34  }
0x1ce: {  	v50 =	vor.u32 $0x15, v1;
	v40 =	vld.idx.msk [tilespmem:v44+s9+$0x0], $0xffff;
	v62 =	vmul.f32 v35, v35;
	v43 =	vadd.f32 v48, v43  }
0x1cf: {  	v63 =	vor.u32 $0x35, v1;
	v5 =	vmul.f32 v36, v36;
	v41 =	vld.idx.msk [tilespmem:v45+s9+$0x0], $0xffff;
	v4 =	vadd.f32 v49, v46  }
0x1d0: {  	[tilespmem:$0x1FEC0] =	vst v6;
	v6 =	vor.u32 $0x16, v1;
	v42 =	vld.idx.msk [tilespmem:v61+s9+$0x0], $0xffff;
	v52 =	vmul.f32 v37, v37;
	v51 =	vadd.f32 v62, v43  }
0x1d1: {  	v53 =	vor.u32 $0x36, v1;
	v59 =	vmul.f32 v38, v38;
	v43 =	vld.idx.msk [tilespmem:v47+s9+$0x0], $0xffff;
	v46 =	vadd.f32 v5, v4  }
0x1d2: {  	v44 =	vld.idx.msk [tilespmem:v0+s9+$0x0], $0xffff;
	v0 =	vor.u32 $0x17, v1;
	v51 =	vadd.f32 v52, v51;
	v60 =	vmul.f32 v39, v39  }
0x1d3: {  	v61 =	vor.u32 $0x37, v1;
	v55 =	vmul.f32 v40, v40;
	v45 =	vld.idx.msk [tilespmem:v50+s9+$0x0], $0xffff;
	v54 =	vadd.f32 v59, v46  }
0x1d4: {  	v56 =	vor.u32 $0x18, v1;
	v62 =	vmul.f32 v41, v41;
	v46 =	vld.idx.msk [tilespmem:v63+s9+$0x0], $0xffff;
	v51 =	vadd.f32 v60, v51  }
0x1d5: {  	v57 =	vor.u32 $0x38, v1;
	v47 =	vld.idx.msk [tilespmem:v6+s9+$0x0], $0xffff;
	v63 =	vmul.f32 v42, v42;
	v54 =	vadd.f32 v55, v54  }
0x1d6: {  	v48 =	vld.idx.msk [tilespmem:v53+s9+$0x0], $0xffff;
	v53 =	vor.u32 $0x19, v1;
	v4 =	vmul.f32 v43, v43;
	v51 =	vadd.f32 v62, v51  }
0x1d7: {  	v58 =	vor.u32 $0x1A, v1;
	v49 =	vld.idx.msk [tilespmem:v0+s9+$0x0], $0xffff;
	v54 =	vadd.f32 v63, v54;
	v5 =	vmul.f32 v44, v44  }
0x1d8: {  	v50 =	vld.idx.msk [tilespmem:v61+s9+$0x0], $0xffff;
	v59 =	vmul.f32 v45, v45;
	v0 =	vor.u32 $0x39, v1;
	v52 =	vadd.f32 v4, v51  }
0x1d9: {  	v61 =	vor.u32 $0x3B, v1;
	v51 =	vld.idx.msk [tilespmem:v56+s9+$0x0], $0xffff;
	v6 =	vmul.f32 v46, v46;
	v54 =	vadd.f32 v5, v54  }
0x1da: {  	v57 =	vld.idx.msk [tilespmem:v57+s9+$0x0], $0xffff;
	v56 =	vor.u32 $0x3A, v1;
	v52 =	vadd.f32 v59, v52;
	v59 =	vmul.f32 v47, v47  }
0x1db: {  	v53 =	vld.idx.msk [tilespmem:v53+s9+$0x0], $0xffff;
	v60 =	vor.u32 $0x1B, v1;
	v55 =	vmul.f32 v48, v48;
	v54 =	vadd.f32 v6, v54  }
0x1dc: {  	v58 =	vld.idx.msk [tilespmem:v58+s9+$0x0], $0xffff;
	v52 =	vadd.f32 v59, v52;
	v4 =	vmul.f32 v49, v49  }
0x1dd: {  	v62 =	vor.u32 $0x3C, v1;
	v5 =	vmul.f32 v50, v50;
	v6 =	vld.idx.msk [tilespmem:v0+s9+$0x0], $0xffff;
	v54 =	vadd.f32 v55, v54  }
0x1de: {  	v61 =	vld.idx.msk [tilespmem:v61+s9+$0x0], $0xffff;
	v52 =	vadd.f32 v4, v52;
	v4 =	vmul.f32 v51, v51  }
0x1df: {  	v63 =	vor.u32 $0x1D, v1;
	v56 =	vld.idx.msk [tilespmem:v56+s9+$0x0], $0xffff;
	v54 =	vadd.f32 v5, v54;
	v5 =	vmul.f32 v57, v57  }
0x1e0: {  	v60 =	vld.idx.msk [tilespmem:v60+s9+$0x0], $0xffff;
	v0 =	vmul.f32 v53, v53;
	v52 =	vadd.f32 v4, v52  }
0x1e1: {  	v59 =	vor.u32 $0x3D, v1;
	v54 =	vadd.f32 v5, v54;
	v5 =	vld.idx.msk [tilespmem:v2+s9+$0x0], $0xffff  }
0x1e2: {  	[tilespmem:$0x1FEB0] =	vst v3;
	v2 =	vmul.f32 v6, v6;
	v3 =	vadd.f32 v0, v52;
	v52 =	vld.idx.msk [tilespmem:v62+s9+$0x0], $0xffff;
	v62 =	vor.u32 $0x3E, v1  }
0x1e3: {  	v0 =	vmul.f32 v58, v58  }
0x1e4: {  	v4 =	vadd.f32 v2, v54;
	v54 =	vld.idx.msk [tilespmem:v63+s9+$0x0], $0xffff;
	v63 =	vor.u32 $0x1F, v1;
	v2 =	vmul.f32 v56, v56  }
0x1e5: {  	v0 =	vadd.f32 v0, v3;
	v3 =	vmul.f32 v60, v60  }
0x1e6: {  	v16 =	vmul.f32 v18, v16;
	v7 =	vmul.f32 v11, v7;
	v2 =	vadd.f32 v2, v4;
	v4 =	vld.idx.msk [tilespmem:v59+s9+$0x0], $0xffff  }
0x1e7: {  	v18 =	vmul.f32 v61, v61;
	v0 =	vadd.f32 v3, v0;
	v59 =	vmul.f32 v5, v5;
	v11 =	vld.idx.msk [tilespmem:v62+s9+$0x0], $0xffff  }
0x1e8: {  	v55 =	vor.u32 $0x1E, v1;
	v62 =	vld [tilespmem:$0x1FEA0]  }
0x1e9: {  	v2 =	vadd.f32 v18, v2;
	v0 =	vadd.f32 v59, v0;
	v18 =	vld.idx.msk [tilespmem:v63+s9+$0x0], $0xffff;
	v63 =	vmul.f32 v54, v54  }
0x1ea: {  	v1 =	vor.u32 $0x3F, v1;
	v59 =	vld [tilespmem:$0x1FEC0]  }
0x1eb: {  	v0 =	vadd.f32 v63, v0;
	v63 =	vld [tilespmem:$0x1FEB0]  }
0x1ec: {  	v16 =	vadd.f32 $0.0e+00, v16  }
0x1ed: {  	v3 =	vld.idx.msk [tilespmem:v55+s9+$0x0], $0xffff  }
0x1ee: {  	v7 =	vadd.f32 v7, v16;
	v9 =	vmul.f32 v9, v62  }
0x1ef: {  	v55 =	vmul.f32 v52, v52;
	v1 =	vld.idx.msk [tilespmem:v1+s9+$0x0], $0xffff  }
0x1f0: {  	v7 =	vadd.f32 v9, v7;
	v9 =	vmul.f32 v59, v63;
	v59 =	vld [tilespmem:$0x1FED0]  }
0x1f1: {  	v2 =	vadd.f32 v55, v2;
	v16 =	vmul.f32 v4, v4  }
0x1f2: {  	v62 =	vmul.f32 v3, v3  }
0x1f3: {  	v2 =	vadd.f32 v16, v2;
	v63 =	vmul.f32 v11, v11  }
0x1f4: {  	v0 =	vadd.f32 v62, v0;
	v62 =	vmul.f32 v18, v18;
	v7 =	vadd.f32 v9, v7  }
0x1f5: {  	v2 =	vadd.f32 v63, v2;
	v63 =	vmul.f32 v1, v1;
	v9 =	vmul.f32 v10, v59  }
0x1f6: {  	v0 =	vadd.f32 v62, v0  }
0x1f7: {  	v8 =	vmul.f32 v12, v8;
	v2 =	vadd.f32 v63, v2;
	v7 =	vadd.f32 v9, v7  }
0x1f8: {  	v0 =	vadd.f32 $1.000000000e+00, v0  }
0x1f9: {  	v16 =	vmul.f32 v14, v13;
	v2 =	vadd.f32 $1.000000000e+00, v2;
	v7 =	vadd.f32 v8, v7;
	_ =	sdelay $0x1  }
0x1fa: {  	v17 =	vmul.f32 v17, v15;
	v0 =	vmul.f32 v2, v0;
	v7 =	vadd.f32 v16, v7;
	_ =	sdelay $0x1  }
0x1fb: {  	v19 =	vmul.f32 v20, v19;
	v20 =	vshra.s32 v0, $0x1;
	v2 =	vadd.f32 v17, v7  }
0x1fc: {  	v8 =	vadd.s32 $0x1FBD1DF6, v20  }
0x1fd: {  	v22 =	vmul.f32 v22, v21;
	(erf) = vrcp.f32 v8;
	v2 =	vadd.f32 v19, v2;
	_ =	sdelay $0x1  }
0x1fe: {  	v24 =	vmul.f32 v24, v23;
	v2 =	vadd.f32 v22, v2;
	_ =	sdelay $0x1  }
0x1ff: {  	v26 =	vmul.f32 v26, v25;
	v2 =	vadd.f32 v24, v2;
	_ =	sdelay $0x1  }
0x200: {  	v28 =	vmul.f32 v28, v27;
	v2 =	vadd.f32 v26, v2;
	_ =	sdelay $0x1  }
0x201: {  	v29 =	vmul.f32 v30, v29;
	v2 =	vadd.f32 v28, v2  }
0x202: {  	v30 =	vpop (erf)  }
0x203: {  	v32 =	vmul.f32 v32, v31;
	v9 =	vmul.f32 v30, v0;
	v2 =	vadd.f32 v29, v2;
	_ =	sdelay $0x1  }
0x204: {  	v34 =	vmul.f32 v34, v33;
	v8 =	vadd.f32 v8, v9;
	v2 =	vadd.f32 v32, v2;
	_ =	sdelay $0x1  }
0x205: {  	v36 =	vmul.f32 v36, v35;
	v8 =	vmul.f32 $5.000000000e-01, v8;
	v2 =	vadd.f32 v34, v2;
	_ =	sdelay $0x1  }
0x206: {  	v38 =	vmul.f32 v38, v37;
	(erf) = vrcp.f32 v8;
	v2 =	vadd.f32 v36, v2;
	_ =	sdelay $0x1  }
0x207: {  	v40 =	vmul.f32 v40, v39;
	v2 =	vadd.f32 v38, v2;
	_ =	sdelay $0x1  }
0x208: {  	v42 =	vmul.f32 v42, v41;
	v2 =	vadd.f32 v40, v2;
	_ =	sdelay $0x1  }
0x209: {  	v44 =	vmul.f32 v44, v43;
	v2 =	vadd.f32 v42, v2;
	_ =	sdelay $0x1  }
0x20a: {  	v45 =	vmul.f32 v46, v45;
	v2 =	vadd.f32 v44, v2  }
0x20b: {  	v46 =	vpop (erf)  }
0x20c: {  	v48 =	vmul.f32 v48, v47;
	v9 =	vmul.f32 v46, v0;
	v2 =	vadd.f32 v45, v2;
	_ =	sdelay $0x1  }
0x20d: {  	v55 =	vmul.f32 v50, v49;
	v8 =	vadd.f32 v9, v8;
	v2 =	vadd.f32 v48, v2;
	_ =	sdelay $0x1  }
0x20e: {  	v57 =	vmul.f32 v57, v51;
	v8 =	vmul.f32 $5.000000000e-01, v8;
	v2 =	vadd.f32 v55, v2;
	_ =	sdelay $0x1  }
0x20f: {  	v6 =	vmul.f32 v6, v53;
	(erf) = vrcp.f32 v8;
	v2 =	vadd.f32 v57, v2;
	_ =	sdelay $0x1  }
0x210: {  	v59 =	vmul.f32 v56, v58;
	v2 =	vadd.f32 v6, v2;
	_ =	sdelay $0x1  }
0x211: {  	v62 =	vmul.f32 v61, v60;
	v2 =	vadd.f32 v59, v2;
	_ =	sdelay $0x1  }
0x212: {  	v5 =	vmul.f32 v52, v5;
	v2 =	vadd.f32 v62, v2;
	_ =	sdelay $0x1  }
0x213: {  	v4 =	vmul.f32 v4, v54;
	v2 =	vadd.f32 v5, v2  }
0x214: {  	v63 =	vpop (erf)  }
0x215: {  	v3 =	vmul.f32 v11, v3;
	v0 =	vmul.f32 v63, v0;
	v2 =	vadd.f32 v4, v2;
	_ =	sdelay $0x1  }
0x216: {  	v1 =	vmul.f32 v1, v18;
	v0 =	vadd.f32 v0, v8;
	v2 =	vadd.f32 v3, v2;
	_ =	sdelay $0x1  }
0x217: {  	v0 =	vmul.f32 $5.000000000e-01, v0;
	v1 =	vadd.f32 v1, v2;
	_ =	sdelay $0x1  }
0x218: {  	v0 =	vadd.f32 v0, v0;
	v1 =	vadd.f32 v1, v1;
	_ =	sdelay $0x1  }
0x219: {  	v0 =	vsub.f32 v0, v1;
	_ =	sdelay $0x1  }
0x21a: {  	s25 =	sadd.s32 $0x1, s25;
	v0 =	vadd.f32 $-1.999989990e+00, v0  }
0x21b: {  	p0 =	sne.s32 s25, s6;
	s26 =	sadd.s32 $0x10, s26  }
.Ltmp1:
0x21c: {  	[tilespmem:s26+$0x0] =	vst v0;
	(pc) =	sbr.rel @p0 .LBB2_1-.Ltmp1, $4  }
0x21d: {  	[hbm4b:s5+s2] =	stream.linear.scatter [tilespmem:s24], [sflag:$0x2], $0x200, $0x38;
	[tilespmem:$0x8600] =	vst v63  }
0x21e: {  	_ =	swait.ge [sflag:s7], $0x200  }
0x21f: {  	[sflag:s7] =	ssyncset.done $0x0  }
0x220: {  	v0 =	vld [tilespmem:$0x1FFF0];
	[sflag:s7] =	ssyncadd.s32 $0xFFFFFE00  }
0x221: {  	_ =	sfence.sel $0x180000  }
0x222: {  	[bflag:$0x0] =	sbarrier.arrive $0xFFFF  }
0x223: {  	p0 =	sne.s32 s1, $0x0;
	_ =	strace $0x90000047  }
0x224: {  	s0 =	sadd.s32 @!p0 $0x100000, s0;
	[bflag:$0x2] =	sbarrier.arrive $0xFFFF  }
0x225: {  	[sflag:s0] =	ssyncadd.tile.s32 @!p0 $0x1;
	_ =	shalt  }
.Lfunc_end2:
_tile_overlayer_lowered:
.L_overlay_start_2:
0x226: {  	(tag) =	ssettag $0x2  }
0x227: {  	s0 =	rddreg [dreg:$0x0];
	s2 =	stileid.u32  }
0x228: {  	s1 =	rddreg [dreg:$0x1];
	p0 =	sne.s32 s2, $0x0  }
0x229: {  	s3 =	rddreg [dreg:$0x2];
	[bflag:$0x3] =	sbarrier.arrive $0xFFFF;
	s2 =	simm.s32 @!p0 $0x1C02  }
0x22a: {  	[timem:s3], [sflag:s2] =	dma.local @!p0 [hbm:s0], s1  }
0x22b: {  	s0 =	simm.s32 @!p0 $0x2  }
0x22c: {  	_ =	swait.ge @!p0 [sflag:s0], s1  }
0x22d: {  	s1 =	ssub.s32 @!p0 $0x0, s1;
	[sflag:s0] =	ssyncset.done @!p0 $0x0  }
0x22e: {  	[sflag:s0] =	ssyncadd.s32 @!p0 s1  }
0x22f: {  	[bflag:$0x3] =	sbarrier.arrive $0xFFFF  }
0x230: {  	_ =	shalt  }

</sc_bundles>
